<compile_context>
chip_gen: v7x
topology: tpu7x:2x2x1
jax: 0.10.2.dev20260603
libtpu: 0.0.44.dev20260713+nightly
codegen_flags: <defaults>
</compile_context>

<pallas_src>
import functools

import jax
import jax.numpy as jnp
from jax import lax
from jax.experimental import pallas as pl
from jax.experimental.pallas import tpu as pltpu
from jax.experimental.pallas import tpu_sc as plsc

NUM_EXPERTS = 8
MOE_DIM = 768
FF_DIM = 1024
BEH_DIM = 64
NUM_BEH = 16
BEH_ROWS = 32
N_TOK = 2048
TILE = 128
NTILES = 24
PADDED = NTILES * TILE

_NC, _NS = 2, 16
_NW = _NC * _NS
_MESH = plsc.VectorSubcoreMesh(core_axis_name="c", subcore_axis_name="s",
                               num_cores=_NC, num_subcores=_NS)



_TOK_W = N_TOK // _NW


@functools.partial(
    pl.kernel, mesh=_MESH,
    out_type=jax.ShapeDtypeStruct((PADDED, MOE_DIM), jnp.float32),
    scratch_types=[pltpu.VMEM((_TOK_W,), jnp.int32),
                   pltpu.VMEM((_TOK_W, MOE_DIM), jnp.float32),
                   pltpu.SemaphoreType.DMA],
)
def _sc_scatter_pad(dst_hbm, hid_hbm, xh_hbm, idx_v, rows_v, sem):
    wid = lax.axis_index("s") * _NC + lax.axis_index("c")
    base = wid * _TOK_W
    pltpu.sync_copy(dst_hbm.at[pl.ds(base, _TOK_W)], idx_v)
    pltpu.sync_copy(hid_hbm.at[pl.ds(base, _TOK_W)], rows_v)
    pltpu.async_copy(rows_v, xh_hbm.at[idx_v], sem).wait()



_ROWS_S = N_TOK // _NW


@functools.partial(
    pl.kernel, mesh=_MESH,
    out_type=jax.ShapeDtypeStruct((N_TOK, MOE_DIM), jnp.float32),
    scratch_types=[pltpu.VMEM((_ROWS_S,), jnp.int32),
                   pltpu.VMEM((_ROWS_S, MOE_DIM), jnp.float32),
                   pltpu.SemaphoreType.DMA],
)
def _sc_gather_back(dst_hbm, y_hbm, out_hbm, idx_v, rows_v, sem):
    wid = lax.axis_index("s") * _NC + lax.axis_index("c")
    base = wid * _ROWS_S
    pltpu.sync_copy(dst_hbm.at[pl.ds(base, _ROWS_S)], idx_v)
    pltpu.async_copy(y_hbm.at[idx_v], rows_v, sem).wait()
    pltpu.sync_copy(rows_v, out_hbm.at[pl.ds(base, _ROWS_S)])



IN_DIM = MOE_DIM + BEH_DIM


def _wdma(wi_hbm, wo_hbm, wi_buf, wo_buf, sem_wi, sem_wo, eid, buf):
    ci = pltpu.make_async_copy(wi_hbm.at[eid], wi_buf.at[buf],
                               sem_wi.at[buf])
    co = pltpu.make_async_copy(wo_hbm.at[eid], wo_buf.at[buf],
                               sem_wo.at[buf])
    return ci, co


def _mlp_body(run_ref, isf_ref, erun_ref, nrun_ref,
              xh_ref, bsrc_ref, beh_ref, wi_hbm, wo_hbm, y_ref,
              wi_buf, wo_buf, sem_wi, sem_wo):
    g = pl.program_id(0)
    run = run_ref[g]
    buf = lax.rem(run, 2)

    @pl.when(g == 0)
    def _():
        ci, co = _wdma(wi_hbm, wo_hbm, wi_buf, wo_buf, sem_wi, sem_wo,
                       erun_ref[0], 0)
        ci.start()
        co.start()

    @pl.when(isf_ref[g] == 1)
    def _():
        nr = run + 1

        @pl.when(nr < nrun_ref[0])
        def _():
            ci, co = _wdma(wi_hbm, wo_hbm, wi_buf, wo_buf, sem_wi, sem_wo,
                           erun_ref[nr], lax.rem(nr, 2))
            ci.start()
            co.start()

        ci, co = _wdma(wi_hbm, wo_hbm, wi_buf, wo_buf, sem_wi, sem_wo,
                       erun_ref[run], buf)
        ci.wait()
        co.wait()

    xh = xh_ref[...]
    wi = wi_buf[buf]
    dn = (((1,), (0,)), ((), ()))
    bs = bsrc_ref[0, 0, :]
    onehot = (bs[:, None] ==
              lax.broadcasted_iota(jnp.int32, (TILE, BEH_ROWS), 1))
    xb = jax.lax.dot_general(onehot.astype(jnp.float32), beh_ref[...],
                             (((1,), (0,)), ((), ())),
                             preferred_element_type=jnp.float32)
    inter = jax.lax.dot_general(xh, wi[:MOE_DIM, :], dn,
                                preferred_element_type=jnp.float32)
    inter += jax.lax.dot_general(xb, wi[MOE_DIM:, :], dn,
                                 preferred_element_type=jnp.float32)
    inter = jnp.maximum(inter, 0.0)
    y_ref[...] = jax.lax.dot_general(inter, wo_buf[buf], dn,
                                     preferred_element_type=jnp.float32)


def _expert_mlp(run_id, is_first, e_run, num_runs, xh, bsrc, beh, Wi, Wo):
    grid_spec = pltpu.PrefetchScalarGridSpec(
        num_scalar_prefetch=4,
        grid=(NTILES,),
        in_specs=[
            pl.BlockSpec((TILE, MOE_DIM), lambda g, *_: (g, 0)),
            pl.BlockSpec((1, 1, TILE), lambda g, *_: (g, 0, 0)),
            pl.BlockSpec((BEH_ROWS, BEH_DIM), lambda g, *_: (0, 0)),
            pl.BlockSpec(memory_space=pl.ANY),
            pl.BlockSpec(memory_space=pl.ANY),
        ],
        out_specs=pl.BlockSpec((TILE, MOE_DIM), lambda g, *_: (g, 0)),
        scratch_shapes=[
            pltpu.VMEM((2, IN_DIM, FF_DIM), jnp.float32),
            pltpu.VMEM((2, FF_DIM, MOE_DIM), jnp.float32),
            pltpu.SemaphoreType.DMA((2,)),
            pltpu.SemaphoreType.DMA((2,)),
        ],
    )
    return pl.pallas_call(
        _mlp_body,
        grid_spec=grid_spec,
        out_shape=jax.ShapeDtypeStruct((PADDED, MOE_DIM), jnp.float32),
    )(run_id, is_first, e_run, num_runs, xh, bsrc, beh, Wi, Wo)


def kernel(hidden_states, position_index, behavior_index, Wi, Wo,
           behavior_embedding):
    pos = position_index.astype(jnp.int32)
    bidx = behavior_index.astype(jnp.int32)

    oh = (pos[:, None] == jnp.arange(NUM_EXPERTS, dtype=jnp.int32)[None, :])
    oh = oh.astype(jnp.int32)
    counts = oh.sum(axis=0)
    pad_counts = ((counts + TILE - 1) // TILE) * TILE
    ends = jnp.cumsum(pad_counts)
    pad_offset = ends - pad_counts
    rank = jnp.take_along_axis(jnp.cumsum(oh, axis=0) - oh,
                               pos[:, None], axis=1)[:, 0]
    dst_slot = pad_offset[pos] + rank
    bsrc_idx = jnp.zeros((PADDED,), jnp.int32).at[dst_slot].set(
        bidx).reshape(NTILES, 1, TILE)
    tile_starts = jnp.arange(NTILES, dtype=jnp.int32) * TILE
    expert_of_tile = jnp.minimum(
        jnp.sum((ends[None, :] <= tile_starts[:, None]).astype(jnp.int32),
                axis=1),
        NUM_EXPERTS - 1).astype(jnp.int32)
    is_first = jnp.concatenate([jnp.ones((1,), jnp.int32),
                                (expert_of_tile[1:]
                                 != expert_of_tile[:-1]).astype(jnp.int32)])
    run_id = jnp.cumsum(is_first) - 1
    num_runs = run_id[NTILES - 1:] + 1
    e_run = jnp.zeros((NUM_EXPERTS,), jnp.int32).at[run_id].set(
        expert_of_tile)

    xh = _sc_scatter_pad(dst_slot, hidden_states)

    beh32 = jnp.zeros((BEH_ROWS, BEH_DIM), jnp.float32
                      ).at[:NUM_BEH + 1].set(behavior_embedding)
    y = _expert_mlp(run_id, is_first, e_run, num_runs,
                    xh, bsrc_idx, beh32,
                    Wi.transpose(0, 2, 1), Wo.transpose(0, 2, 1))

    return _sc_gather_back(dst_slot, y)

# --- scband reference (transcript-rebuilt; emitter-appended) ---
"""Pipeline reference for scband-pbatransformer-sparse-mlp-16569983828105 (READ-ONLY COPY).

The authoritative reference and input builder live on the scoring server;
editing this copy changes nothing except your own understanding.
"""

import jax, jax.numpy as jnp
import numpy as np

NUM_EXPERTS = 8
MOE_DIM = 768
FF_DIM = 1024
BEH_DIM = 64
NUM_BEH = 16
N_TOK = 2048

def setup_inputs(seed: int = 0) -> dict:
    key = jax.random.key(seed)
    k1, k2, k3, k4, k5, k6 = jax.random.split(key, 6)
    hidden_states = jax.random.normal(k1, (N_TOK, MOE_DIM), dtype=jnp.float32)
    position_index = jax.random.randint(k2, (N_TOK,), 0, NUM_EXPERTS, dtype=jnp.int64 if jax.config.jax_enable_x64 else jnp.int32)
    behavior_index = jax.random.randint(k3, (N_TOK,), 0, NUM_BEH + 1, dtype=jnp.int64 if jax.config.jax_enable_x64 else jnp.int32)
    in_dim = MOE_DIM + BEH_DIM
    # torch nn.Linear weights: [out_features, in_features], y = x @ W.T
    Wi = jax.random.normal(k4, (NUM_EXPERTS, FF_DIM, in_dim), dtype=jnp.float32) * (1.0 / np.sqrt(in_dim))
    Wo = jax.random.normal(k5, (NUM_EXPERTS, MOE_DIM, FF_DIM), dtype=jnp.float32) * (1.0 / np.sqrt(FF_DIM))
    behavior_embedding = jax.random.normal(k6, (NUM_BEH + 1, BEH_DIM), dtype=jnp.float32)
    return {"hidden_states": hidden_states, "position_index": position_index, "behavior_index": behavior_index, "Wi": Wi, "Wo": Wo, "behavior_embedding": behavior_embedding}

def reference(hidden_states, position_index, behavior_index, Wi, Wo, behavior_embedding):
    # behavior injection: embedding lookup (gather) + concat
    beh = jnp.take(behavior_embedding, behavior_index, axis=0)
    h = jnp.concatenate([hidden_states, beh], axis=-1)
    next_states = jnp.zeros_like(hidden_states)
    # sparse expert dispatch: hard assignment by position_index.
    # Bias-free MLP => masking inputs and outputs is exactly equivalent to
    # boolean gather/scatter in the torch module (relu(0 @ W) @ W2 == 0).
    for e in range(NUM_EXPERTS):
        mask = (position_index == e).astype(h.dtype)[:, None]
        xe = h * mask
        inter = jax.nn.relu(xe @ Wi[e].T)
        out = inter @ Wo[e].T  # dropout_rate=0.0 -> identity
        next_states = next_states + out * mask
    return next_states

if __name__ == "__main__":
    import jax
    _d = setup_inputs()
    print(jax.jit(kernel)(*tuple(_d.values())))

</pallas_src>

<mosaic_0001>
#map = affine_map<(d0, d1) -> (0)>
#map1 = affine_map<(d0, d1) -> (0, 0)>
module attributes {stable_mosaic.version = 14 : i64} {
  func.func @_sc_gather_back(%arg0: i32, %arg1: i32, %arg2: memref<2048xi32, #tpu.memory_space<hbm>>, %arg3: memref<3072x768xf32, #tpu.memory_space<hbm>>, %arg4: memref<2048x768xf32, #tpu.memory_space<hbm>>, %arg5: memref<64xi32, #tpu.memory_space<vmem>>, %arg6: memref<64x768xf32, #tpu.memory_space<vmem>>, %arg7: memref<!tpu.dma_semaphore, #tpu.memory_space<semaphore_mem>>) attributes {dimension_semantics = [#tpu.dimension_semantics<core_parallel>, #tpu.dimension_semantics<subcore_parallel>], iteration_bounds = array<i64: 2, 16>, scalar_prefetch = 0 : i64, scratch_operands = 3 : i64, tpu.core_type = #tpu.core_type<sc_vector_subcore>, window_params = [{transform_indices = #map}, {transform_indices = #map1}, {transform_indices = #map1}]} {
    %mul3A = arith.constant 2 : i32
    %mul3A_0 = arith.muli %arg1, %mul3A : i32
    %add3A = arith.addi %mul3A_0, %arg0 : i32
    %mul3A_1 = arith.constant 64 : i32
    %mul3A_2 = arith.muli %add3A, %mul3A_1 : i32
    "tpu.region"() ({
      %run_scoped3A = tpu.sem_alloc : memref<!tpu.dma_semaphore, #tpu.memory_space<semaphore_mem>>
      %dma_start3A_7 = tpu.memref_slice %arg2[%mul3A_2] : memref<2048xi32, #tpu.memory_space<hbm>> -> memref<64xi32, #tpu.memory_space<hbm>>
      %dma_start3A_8 = tpu.memref_slice %arg2[%mul3A_2] : memref<2048xi32, #tpu.memory_space<hbm>> -> memref<64xi32, #tpu.memory_space<hbm>>
      tpu.enqueue_dma source(%dma_start3A_8 : memref<64xi32, #tpu.memory_space<hbm>>) target(%arg5 : memref<64xi32, #tpu.memory_space<vmem>>) target_semaphore(%run_scoped3A : memref<!tpu.dma_semaphore, #tpu.memory_space<semaphore_mem>>)
      %dma_wait3A_9 = tpu.memref_slice %arg2[%mul3A_2] : memref<2048xi32, #tpu.memory_space<hbm>> -> memref<64xi32, #tpu.memory_space<hbm>>
      %dma_wait3A_10 = tpu.memref_slice %arg2[%mul3A_2] : memref<2048xi32, #tpu.memory_space<hbm>> -> memref<64xi32, #tpu.memory_space<hbm>>
      tpu.wait_dma2 semaphore(%run_scoped3A : memref<!tpu.dma_semaphore, #tpu.memory_space<semaphore_mem>>) src(%dma_wait3A_10 : memref<64xi32, #tpu.memory_space<hbm>>) dst(%arg5 : memref<64xi32, #tpu.memory_space<vmem>>)
      tpu.yield
    }) : () -> ()
    %dma_start3A = arith.constant 0 : i32
    %dma_start3A_3 = arith.constant 0 : i32
    %dma_start3A_4 = tpu.memref_slice %arg3[%dma_start3A, %dma_start3A_3] : memref<3072x768xf32, #tpu.memory_space<hbm>> -> memref<3072x768xf32, #tpu.memory_space<hbm>>
    tpu.enqueue_indirect_dma source(%dma_start3A_4 : memref<3072x768xf32, #tpu.memory_space<hbm>>) target(%arg6 : memref<64x768xf32, #tpu.memory_space<vmem>>) offsets(%arg5 : memref<64xi32, #tpu.memory_space<vmem>>) semaphore(%arg7 : memref<!tpu.dma_semaphore, #tpu.memory_space<semaphore_mem>>)
    %dma_wait3A = arith.constant 0 : i32
    %dma_wait3A_5 = arith.constant 0 : i32
    %dma_wait3A_6 = tpu.memref_slice %arg3[%dma_wait3A, %dma_wait3A_5] : memref<3072x768xf32, #tpu.memory_space<hbm>> -> memref<3072x768xf32, #tpu.memory_space<hbm>>
    tpu.wait_indirect_dma semaphore(%arg7 : memref<!tpu.dma_semaphore, #tpu.memory_space<semaphore_mem>>) src(%dma_wait3A_6 : memref<3072x768xf32, #tpu.memory_space<hbm>>) dst(%arg6 : memref<64x768xf32, #tpu.memory_space<vmem>>)
    "tpu.region"() ({
      %run_scoped3A = tpu.sem_alloc : memref<!tpu.dma_semaphore, #tpu.memory_space<semaphore_mem>>
      %dma_start3A_7 = arith.constant 0 : i32
      %dma_start3A_8 = tpu.memref_slice %arg4[%mul3A_2, %dma_start3A_7] : memref<2048x768xf32, #tpu.memory_space<hbm>> -> memref<64x768xf32, #tpu.memory_space<hbm>>
      %dma_start3A_9 = arith.constant 0 : i32
      %dma_start3A_10 = tpu.memref_slice %arg4[%mul3A_2, %dma_start3A_9] : memref<2048x768xf32, #tpu.memory_space<hbm>> -> memref<64x768xf32, #tpu.memory_space<hbm>>
      tpu.enqueue_dma source(%arg6 : memref<64x768xf32, #tpu.memory_space<vmem>>) target(%dma_start3A_10 : memref<64x768xf32, #tpu.memory_space<hbm>>) target_semaphore(%run_scoped3A : memref<!tpu.dma_semaphore, #tpu.memory_space<semaphore_mem>>)
      %dma_wait3A_11 = arith.constant 0 : i32
      %dma_wait3A_12 = tpu.memref_slice %arg4[%mul3A_2, %dma_wait3A_11] : memref<2048x768xf32, #tpu.memory_space<hbm>> -> memref<64x768xf32, #tpu.memory_space<hbm>>
      %dma_wait3A_13 = arith.constant 0 : i32
      %dma_wait3A_14 = tpu.memref_slice %arg4[%mul3A_2, %dma_wait3A_13] : memref<2048x768xf32, #tpu.memory_space<hbm>> -> memref<64x768xf32, #tpu.memory_space<hbm>>
      tpu.wait_dma2 semaphore(%run_scoped3A : memref<!tpu.dma_semaphore, #tpu.memory_space<semaphore_mem>>) src(%arg6 : memref<64x768xf32, #tpu.memory_space<vmem>>) dst(%dma_wait3A_14 : memref<64x768xf32, #tpu.memory_space<hbm>>)
      tpu.yield
    }) : () -> ()
    return
  }
}

#map = affine_map<(d0, d1) -> (0)>
#map1 = affine_map<(d0, d1) -> (0, 0)>
module attributes {stable_mosaic.version = 14 : i64} {
  func.func @_sc_scatter_pad(%arg0: i32, %arg1: i32, %arg2: memref<2048xi32, #tpu.memory_space<hbm>>, %arg3: memref<2048x768xf32, #tpu.memory_space<hbm>>, %arg4: memref<3072x768xf32, #tpu.memory_space<hbm>>, %arg5: memref<64xi32, #tpu.memory_space<vmem>>, %arg6: memref<64x768xf32, #tpu.memory_space<vmem>>, %arg7: memref<!tpu.dma_semaphore, #tpu.memory_space<semaphore_mem>>) attributes {dimension_semantics = [#tpu.dimension_semantics<core_parallel>, #tpu.dimension_semantics<subcore_parallel>], iteration_bounds = array<i64: 2, 16>, scalar_prefetch = 0 : i64, scratch_operands = 3 : i64, tpu.core_type = #tpu.core_type<sc_vector_subcore>, window_params = [{transform_indices = #map}, {transform_indices = #map1}, {transform_indices = #map1}]} {
    %mul3A = arith.constant 2 : i32
    %mul3A_0 = arith.muli %arg1, %mul3A : i32
    %add3A = arith.addi %mul3A_0, %arg0 : i32
    %mul3A_1 = arith.constant 64 : i32
    %mul3A_2 = arith.muli %add3A, %mul3A_1 : i32
    "tpu.region"() ({
      %run_scoped3A = tpu.sem_alloc : memref<!tpu.dma_semaphore, #tpu.memory_space<semaphore_mem>>
      %dma_start3A_7 = tpu.memref_slice %arg2[%mul3A_2] : memref<2048xi32, #tpu.memory_space<hbm>> -> memref<64xi32, #tpu.memory_space<hbm>>
      %dma_start3A_8 = tpu.memref_slice %arg2[%mul3A_2] : memref<2048xi32, #tpu.memory_space<hbm>> -> memref<64xi32, #tpu.memory_space<hbm>>
      tpu.enqueue_dma source(%dma_start3A_8 : memref<64xi32, #tpu.memory_space<hbm>>) target(%arg5 : memref<64xi32, #tpu.memory_space<vmem>>) target_semaphore(%run_scoped3A : memref<!tpu.dma_semaphore, #tpu.memory_space<semaphore_mem>>)
      %dma_wait3A_9 = tpu.memref_slice %arg2[%mul3A_2] : memref<2048xi32, #tpu.memory_space<hbm>> -> memref<64xi32, #tpu.memory_space<hbm>>
      %dma_wait3A_10 = tpu.memref_slice %arg2[%mul3A_2] : memref<2048xi32, #tpu.memory_space<hbm>> -> memref<64xi32, #tpu.memory_space<hbm>>
      tpu.wait_dma2 semaphore(%run_scoped3A : memref<!tpu.dma_semaphore, #tpu.memory_space<semaphore_mem>>) src(%dma_wait3A_10 : memref<64xi32, #tpu.memory_space<hbm>>) dst(%arg5 : memref<64xi32, #tpu.memory_space<vmem>>)
      tpu.yield
    }) : () -> ()
    "tpu.region"() ({
      %run_scoped3A = tpu.sem_alloc : memref<!tpu.dma_semaphore, #tpu.memory_space<semaphore_mem>>
      %dma_start3A_7 = arith.constant 0 : i32
      %dma_start3A_8 = tpu.memref_slice %arg3[%mul3A_2, %dma_start3A_7] : memref<2048x768xf32, #tpu.memory_space<hbm>> -> memref<64x768xf32, #tpu.memory_space<hbm>>
      %dma_start3A_9 = arith.constant 0 : i32
      %dma_start3A_10 = tpu.memref_slice %arg3[%mul3A_2, %dma_start3A_9] : memref<2048x768xf32, #tpu.memory_space<hbm>> -> memref<64x768xf32, #tpu.memory_space<hbm>>
      tpu.enqueue_dma source(%dma_start3A_10 : memref<64x768xf32, #tpu.memory_space<hbm>>) target(%arg6 : memref<64x768xf32, #tpu.memory_space<vmem>>) target_semaphore(%run_scoped3A : memref<!tpu.dma_semaphore, #tpu.memory_space<semaphore_mem>>)
      %dma_wait3A_11 = arith.constant 0 : i32
      %dma_wait3A_12 = tpu.memref_slice %arg3[%mul3A_2, %dma_wait3A_11] : memref<2048x768xf32, #tpu.memory_space<hbm>> -> memref<64x768xf32, #tpu.memory_space<hbm>>
      %dma_wait3A_13 = arith.constant 0 : i32
      %dma_wait3A_14 = tpu.memref_slice %arg3[%mul3A_2, %dma_wait3A_13] : memref<2048x768xf32, #tpu.memory_space<hbm>> -> memref<64x768xf32, #tpu.memory_space<hbm>>
      tpu.wait_dma2 semaphore(%run_scoped3A : memref<!tpu.dma_semaphore, #tpu.memory_space<semaphore_mem>>) src(%dma_wait3A_14 : memref<64x768xf32, #tpu.memory_space<hbm>>) dst(%arg6 : memref<64x768xf32, #tpu.memory_space<vmem>>)
      tpu.yield
    }) : () -> ()
    %dma_start3A = arith.constant 0 : i32
    %dma_start3A_3 = arith.constant 0 : i32
    %dma_start3A_4 = tpu.memref_slice %arg4[%dma_start3A, %dma_start3A_3] : memref<3072x768xf32, #tpu.memory_space<hbm>> -> memref<3072x768xf32, #tpu.memory_space<hbm>>
    tpu.enqueue_indirect_dma source(%arg6 : memref<64x768xf32, #tpu.memory_space<vmem>>) target(%dma_start3A_4 : memref<3072x768xf32, #tpu.memory_space<hbm>>) offsets(%arg5 : memref<64xi32, #tpu.memory_space<vmem>>) semaphore(%arg7 : memref<!tpu.dma_semaphore, #tpu.memory_space<semaphore_mem>>)
    %dma_wait3A = arith.constant 0 : i32
    %dma_wait3A_5 = arith.constant 0 : i32
    %dma_wait3A_6 = tpu.memref_slice %arg4[%dma_wait3A, %dma_wait3A_5] : memref<3072x768xf32, #tpu.memory_space<hbm>> -> memref<3072x768xf32, #tpu.memory_space<hbm>>
    tpu.wait_indirect_dma semaphore(%arg7 : memref<!tpu.dma_semaphore, #tpu.memory_space<semaphore_mem>>) src(%arg6 : memref<64x768xf32, #tpu.memory_space<vmem>>) dst(%dma_wait3A_6 : memref<3072x768xf32, #tpu.memory_space<hbm>>)
    return
  }
}

module attributes {stable_mosaic.version = 14 : i64} {
  func.func @_mlp_body(%arg0: i32, %arg1: memref<24xi32, #tpu.memory_space<smem>>, %arg2: memref<24xi32, #tpu.memory_space<smem>>, %arg3: memref<8xi32, #tpu.memory_space<smem>>, %arg4: memref<1xi32, #tpu.memory_space<smem>>, %arg5: memref<128x768xf32, #tpu.memory_space<vmem>>, %arg6: memref<1x1x128xi32, #tpu.memory_space<vmem>>, %arg7: memref<32x64xf32, #tpu.memory_space<vmem>>, %arg8: memref<8x832x1024xf32, #tpu.memory_space<any>>, %arg9: memref<8x1024x768xf32, #tpu.memory_space<any>>, %arg10: memref<128x768xf32, #tpu.memory_space<vmem>>, %arg11: memref<2x832x1024xf32, #tpu.memory_space<vmem>>, %arg12: memref<2x1024x768xf32, #tpu.memory_space<vmem>>, %arg13: memref<2x!tpu.dma_semaphore, #tpu.memory_space<semaphore_mem>>, %arg14: memref<2x!tpu.dma_semaphore, #tpu.memory_space<semaphore_mem>>) attributes {dimension_semantics = [#tpu.dimension_semantics<arbitrary>], iteration_bounds = array<i64: 24>, scalar_prefetch = 4 : i64, scratch_operands = 4 : i64, tpu.core_type = #tpu.core_type<tc>, window_params = [{transform_indices = @transform_0, window_bounds = array<i64: 128, 768>}, {transform_indices = @transform_1, window_bounds = array<i64: 1, 1, 128>}, {pipeline_mode = #tpu.pipeline_mode<synchronous>, transform_indices = @transform_2, window_bounds = array<i64: 32, 64>}, {}, {}, {transform_indices = @transform_5, window_bounds = array<i64: 128, 768>}]} {
    %get3A = arith.index_cast %arg0 : i32 to index
    %get3A_0 = memref.load %arg1[%get3A] : memref<24xi32, #tpu.memory_space<smem>>
    %rem3A = arith.constant 2 : i32
    %rem3A_1 = arith.remsi %get3A_0, %rem3A : i32
    %eq3A = arith.constant 0 : i32
    %eq3A_2 = arith.cmpi eq, %arg0, %eq3A : i32
    %convert_element_type3A = arith.extui %eq3A_2 : i1 to i32
    %cond3A = arith.constant 0 : i32
    %cond3A_3 = arith.cmpi ne, %convert_element_type3A, %cond3A : i32
    scf.if %cond3A_3 {
      %get3A_48 = arith.constant 0 : index
      %get3A_49 = memref.load %arg3[%get3A_48] : memref<8xi32, #tpu.memory_space<smem>>
      %dma_start3A = arith.constant 0 : i32
      %dma_start3A_50 = arith.constant 0 : i32
      %dma_start3A_51 = tpu.memref_slice %arg13[%dma_start3A_50] : memref<2x!tpu.dma_semaphore, #tpu.memory_space<semaphore_mem>> -> memref<1x!tpu.dma_semaphore, #tpu.memory_space<semaphore_mem>>
      %dma_start3A_52 = tpu.memref_squeeze %dma_start3A_51 : memref<1x!tpu.dma_semaphore, #tpu.memory_space<semaphore_mem>> -> memref<!tpu.dma_semaphore, #tpu.memory_space<semaphore_mem>>
      %dma_start3A_53 = arith.constant 0 : i32
      %dma_start3A_54 = arith.constant 0 : i32
      %dma_start3A_55 = tpu.memref_slice %arg11[%dma_start3A, %dma_start3A_53, %dma_start3A_54] : memref<2x832x1024xf32, #tpu.memory_space<vmem>> -> memref<1x832x1024xf32, #tpu.memory_space<vmem>>
      %dma_start3A_56 = tpu.memref_squeeze %dma_start3A_55 : memref<1x832x1024xf32, #tpu.memory_space<vmem>> -> memref<832x1024xf32, #tpu.memory_space<vmem>>
      %dma_start3A_57 = arith.constant 0 : i32
      %dma_start3A_58 = arith.constant 0 : i32
      %dma_start3A_59 = tpu.memref_slice %arg8[%get3A_49, %dma_start3A_57, %dma_start3A_58] : memref<8x832x1024xf32, #tpu.memory_space<any>> -> memref<1x832x1024xf32, #tpu.memory_space<any>>
      %dma_start3A_60 = tpu.memref_squeeze %dma_start3A_59 : memref<1x832x1024xf32, #tpu.memory_space<any>> -> memref<832x1024xf32, #tpu.memory_space<any>>
      tpu.enqueue_dma source(%dma_start3A_60 : memref<832x1024xf32, #tpu.memory_space<any>>) target(%dma_start3A_56 : memref<832x1024xf32, #tpu.memory_space<vmem>>) target_semaphore(%dma_start3A_52 : memref<!tpu.dma_semaphore, #tpu.memory_space<semaphore_mem>>)
      %dma_start3A_61 = arith.constant 0 : i32
      %dma_start3A_62 = arith.constant 0 : i32
      %dma_start3A_63 = tpu.memref_slice %arg14[%dma_start3A_62] : memref<2x!tpu.dma_semaphore, #tpu.memory_space<semaphore_mem>> -> memref<1x!tpu.dma_semaphore, #tpu.memory_space<semaphore_mem>>
      %dma_start3A_64 = tpu.memref_squeeze %dma_start3A_63 : memref<1x!tpu.dma_semaphore, #tpu.memory_space<semaphore_mem>> -> memref<!tpu.dma_semaphore, #tpu.memory_space<semaphore_mem>>
      %dma_start3A_65 = arith.constant 0 : i32
      %dma_start3A_66 = arith.constant 0 : i32
      %dma_start3A_67 = tpu.memref_slice %arg12[%dma_start3A_61, %dma_start3A_65, %dma_start3A_66] : memref<2x1024x768xf32, #tpu.memory_space<vmem>> -> memref<1x1024x768xf32, #tpu.memory_space<vmem>>
      %dma_start3A_68 = tpu.memref_squeeze %dma_start3A_67 : memref<1x1024x768xf32, #tpu.memory_space<vmem>> -> memref<1024x768xf32, #tpu.memory_space<vmem>>
      %dma_start3A_69 = arith.constant 0 : i32
      %dma_start3A_70 = arith.constant 0 : i32
      %dma_start3A_71 = tpu.memref_slice %arg9[%get3A_49, %dma_start3A_69, %dma_start3A_70] : memref<8x1024x768xf32, #tpu.memory_space<any>> -> memref<1x1024x768xf32, #tpu.memory_space<any>>
      %dma_start3A_72 = tpu.memref_squeeze %dma_start3A_71 : memref<1x1024x768xf32, #tpu.memory_space<any>> -> memref<1024x768xf32, #tpu.memory_space<any>>
      tpu.enqueue_dma source(%dma_start3A_72 : memref<1024x768xf32, #tpu.memory_space<any>>) target(%dma_start3A_68 : memref<1024x768xf32, #tpu.memory_space<vmem>>) target_semaphore(%dma_start3A_64 : memref<!tpu.dma_semaphore, #tpu.memory_space<semaphore_mem>>)
    } else {
    }
    %get3A_4 = arith.index_cast %arg0 : i32 to index
    %get3A_5 = memref.load %arg2[%get3A_4] : memref<24xi32, #tpu.memory_space<smem>>
    %eq3A_6 = arith.constant 1 : i32
    %eq3A_7 = arith.cmpi eq, %get3A_5, %eq3A_6 : i32
    %convert_element_type3A_8 = arith.extui %eq3A_7 : i1 to i32
    %cond3A_9 = arith.constant 0 : i32
    %cond3A_10 = arith.cmpi ne, %convert_element_type3A_8, %cond3A_9 : i32
    scf.if %cond3A_10 {
      %add3A_48 = arith.constant 1 : i32
      %add3A_49 = arith.addi %get3A_0, %add3A_48 : i32
      %get3A_50 = arith.constant 0 : index
      %get3A_51 = memref.load %arg4[%get3A_50] : memref<1xi32, #tpu.memory_space<smem>>
      %lt3A = arith.cmpi slt, %add3A_49, %get3A_51 : i32
      %convert_element_type3A_52 = arith.extui %lt3A : i1 to i32
      %cond3A_53 = arith.constant 0 : i32
      %cond3A_54 = arith.cmpi ne, %convert_element_type3A_52, %cond3A_53 : i32
      scf.if %cond3A_54 {
        %get3A_76 = arith.index_cast %add3A_49 : i32 to index
        %get3A_77 = memref.load %arg3[%get3A_76] : memref<8xi32, #tpu.memory_space<smem>>
        %rem3A_78 = arith.constant 2 : i32
        %rem3A_79 = arith.remsi %add3A_49, %rem3A_78 : i32
        %dma_start3A = tpu.memref_slice %arg13[%rem3A_79] : memref<2x!tpu.dma_semaphore, #tpu.memory_space<semaphore_mem>> -> memref<1x!tpu.dma_semaphore, #tpu.memory_space<semaphore_mem>>
        %dma_start3A_80 = tpu.memref_squeeze %dma_start3A : memref<1x!tpu.dma_semaphore, #tpu.memory_space<semaphore_mem>> -> memref<!tpu.dma_semaphore, #tpu.memory_space<semaphore_mem>>
        %dma_start3A_81 = arith.constant 0 : i32
        %dma_start3A_82 = arith.constant 0 : i32
        %dma_start3A_83 = tpu.memref_slice %arg11[%rem3A_79, %dma_start3A_81, %dma_start3A_82] : memref<2x832x1024xf32, #tpu.memory_space<vmem>> -> memref<1x832x1024xf32, #tpu.memory_space<vmem>>
        %dma_start3A_84 = tpu.memref_squeeze %dma_start3A_83 : memref<1x832x1024xf32, #tpu.memory_space<vmem>> -> memref<832x1024xf32, #tpu.memory_space<vmem>>
        %dma_start3A_85 = arith.constant 0 : i32
        %dma_start3A_86 = arith.constant 0 : i32
        %dma_start3A_87 = tpu.memref_slice %arg8[%get3A_77, %dma_start3A_85, %dma_start3A_86] : memref<8x832x1024xf32, #tpu.memory_space<any>> -> memref<1x832x1024xf32, #tpu.memory_space<any>>
        %dma_start3A_88 = tpu.memref_squeeze %dma_start3A_87 : memref<1x832x1024xf32, #tpu.memory_space<any>> -> memref<832x1024xf32, #tpu.memory_space<any>>
        tpu.enqueue_dma source(%dma_start3A_88 : memref<832x1024xf32, #tpu.memory_space<any>>) target(%dma_start3A_84 : memref<832x1024xf32, #tpu.memory_space<vmem>>) target_semaphore(%dma_start3A_80 : memref<!tpu.dma_semaphore, #tpu.memory_space<semaphore_mem>>)
        %dma_start3A_89 = tpu.memref_slice %arg14[%rem3A_79] : memref<2x!tpu.dma_semaphore, #tpu.memory_space<semaphore_mem>> -> memref<1x!tpu.dma_semaphore, #tpu.memory_space<semaphore_mem>>
        %dma_start3A_90 = tpu.memref_squeeze %dma_start3A_89 : memref<1x!tpu.dma_semaphore, #tpu.memory_space<semaphore_mem>> -> memref<!tpu.dma_semaphore, #tpu.memory_space<semaphore_mem>>
        %dma_start3A_91 = arith.constant 0 : i32
        %dma_start3A_92 = arith.constant 0 : i32
        %dma_start3A_93 = tpu.memref_slice %arg12[%rem3A_79, %dma_start3A_91, %dma_start3A_92] : memref<2x1024x768xf32, #tpu.memory_space<vmem>> -> memref<1x1024x768xf32, #tpu.memory_space<vmem>>
        %dma_start3A_94 = tpu.memref_squeeze %dma_start3A_93 : memref<1x1024x768xf32, #tpu.memory_space<vmem>> -> memref<1024x768xf32, #tpu.memory_space<vmem>>
        %dma_start3A_95 = arith.constant 0 : i32
        %dma_start3A_96 = arith.constant 0 : i32
        %dma_start3A_97 = tpu.memref_slice %arg9[%get3A_77, %dma_start3A_95, %dma_start3A_96] : memref<8x1024x768xf32, #tpu.memory_space<any>> -> memref<1x1024x768xf32, #tpu.memory_space<any>>
        %dma_start3A_98 = tpu.memref_squeeze %dma_start3A_97 : memref<1x1024x768xf32, #tpu.memory_space<any>> -> memref<1024x768xf32, #tpu.memory_space<any>>
        tpu.enqueue_dma source(%dma_start3A_98 : memref<1024x768xf32, #tpu.memory_space<any>>) target(%dma_start3A_94 : memref<1024x768xf32, #tpu.memory_space<vmem>>) target_semaphore(%dma_start3A_90 : memref<!tpu.dma_semaphore, #tpu.memory_space<semaphore_mem>>)
      } else {
      }
      %get3A_55 = arith.index_cast %get3A_0 : i32 to index
      %get3A_56 = memref.load %arg3[%get3A_55] : memref<8xi32, #tpu.memory_space<smem>>
      %dma_wait3A = tpu.memref_slice %arg13[%rem3A_1] : memref<2x!tpu.dma_semaphore, #tpu.memory_space<semaphore_mem>> -> memref<1x!tpu.dma_semaphore, #tpu.memory_space<semaphore_mem>>
      %dma_wait3A_57 = tpu.memref_squeeze %dma_wait3A : memref<1x!tpu.dma_semaphore, #tpu.memory_space<semaphore_mem>> -> memref<!tpu.dma_semaphore, #tpu.memory_space<semaphore_mem>>
      %dma_wait3A_58 = arith.constant 0 : i32
      %dma_wait3A_59 = arith.constant 0 : i32
      %dma_wait3A_60 = tpu.memref_slice %arg11[%rem3A_1, %dma_wait3A_58, %dma_wait3A_59] : memref<2x832x1024xf32, #tpu.memory_space<vmem>> -> memref<1x832x1024xf32, #tpu.memory_space<vmem>>
      %dma_wait3A_61 = tpu.memref_squeeze %dma_wait3A_60 : memref<1x832x1024xf32, #tpu.memory_space<vmem>> -> memref<832x1024xf32, #tpu.memory_space<vmem>>
      %dma_wait3A_62 = arith.constant 0 : i32
      %dma_wait3A_63 = arith.constant 0 : i32
      %dma_wait3A_64 = tpu.memref_slice %arg8[%get3A_56, %dma_wait3A_62, %dma_wait3A_63] : memref<8x832x1024xf32, #tpu.memory_space<any>> -> memref<1x832x1024xf32, #tpu.memory_space<any>>
      %dma_wait3A_65 = tpu.memref_squeeze %dma_wait3A_64 : memref<1x832x1024xf32, #tpu.memory_space<any>> -> memref<832x1024xf32, #tpu.memory_space<any>>
      tpu.wait_dma2 semaphore(%dma_wait3A_57 : memref<!tpu.dma_semaphore, #tpu.memory_space<semaphore_mem>>) src(%dma_wait3A_65 : memref<832x1024xf32, #tpu.memory_space<any>>) dst(%dma_wait3A_61 : memref<832x1024xf32, #tpu.memory_space<vmem>>)
      %dma_wait3A_66 = tpu.memref_slice %arg14[%rem3A_1] : memref<2x!tpu.dma_semaphore, #tpu.memory_space<semaphore_mem>> -> memref<1x!tpu.dma_semaphore, #tpu.memory_space<semaphore_mem>>
      %dma_wait3A_67 = tpu.memref_squeeze %dma_wait3A_66 : memref<1x!tpu.dma_semaphore, #tpu.memory_space<semaphore_mem>> -> memref<!tpu.dma_semaphore, #tpu.memory_space<semaphore_mem>>
      %dma_wait3A_68 = arith.constant 0 : i32
      %dma_wait3A_69 = arith.constant 0 : i32
      %dma_wait3A_70 = tpu.memref_slice %arg12[%rem3A_1, %dma_wait3A_68, %dma_wait3A_69] : memref<2x1024x768xf32, #tpu.memory_space<vmem>> -> memref<1x1024x768xf32, #tpu.memory_space<vmem>>
      %dma_wait3A_71 = tpu.memref_squeeze %dma_wait3A_70 : memref<1x1024x768xf32, #tpu.memory_space<vmem>> -> memref<1024x768xf32, #tpu.memory_space<vmem>>
      %dma_wait3A_72 = arith.constant 0 : i32
      %dma_wait3A_73 = arith.constant 0 : i32
      %dma_wait3A_74 = tpu.memref_slice %arg9[%get3A_56, %dma_wait3A_72, %dma_wait3A_73] : memref<8x1024x768xf32, #tpu.memory_space<any>> -> memref<1x1024x768xf32, #tpu.memory_space<any>>
      %dma_wait3A_75 = tpu.memref_squeeze %dma_wait3A_74 : memref<1x1024x768xf32, #tpu.memory_space<any>> -> memref<1024x768xf32, #tpu.memory_space<any>>
      tpu.wait_dma2 semaphore(%dma_wait3A_67 : memref<!tpu.dma_semaphore, #tpu.memory_space<semaphore_mem>>) src(%dma_wait3A_75 : memref<1024x768xf32, #tpu.memory_space<any>>) dst(%dma_wait3A_71 : memref<1024x768xf32, #tpu.memory_space<vmem>>)
    } else {
    }
    %get3A_11 = arith.constant 0 : index
    %get3A_12 = arith.constant 0 : index
    %get3A_13 = vector.load %arg5[%get3A_11, %get3A_12] : memref<128x768xf32, #tpu.memory_space<vmem>>, vector<128x768xf32>
    %get3A_14 = arith.index_cast %rem3A_1 : i32 to index
    %get3A_15 = arith.constant 0 : index
    %get3A_16 = arith.constant 0 : index
    %get3A_17 = vector.load %arg11[%get3A_14, %get3A_15, %get3A_16] : memref<2x832x1024xf32, #tpu.memory_space<vmem>>, vector<1x832x1024xf32>
    %get3A_18 = vector.shape_cast %get3A_17 : vector<1x832x1024xf32> to vector<832x1024xf32>
    %get3A_19 = arith.constant 0 : index
    %get3A_20 = arith.constant 0 : index
    %get3A_21 = arith.constant 0 : index
    %get3A_22 = vector.load %arg6[%get3A_19, %get3A_20, %get3A_21] : memref<1x1x128xi32, #tpu.memory_space<vmem>>, vector<1x1x128xi32>
    %get3A_23 = vector.shape_cast %get3A_22 : vector<1x1x128xi32> to vector<128xi32>
    %broadcast_in_dim3A = vector.shape_cast %get3A_23 : vector<128xi32> to vector<128x1xi32>
    %iota3A = tpu.iota {dimensions = array<i32: 1>} : vector<128x32xi32>
    %eq3A_24 = vector.broadcast %broadcast_in_dim3A : vector<128x1xi32> to vector<128x32xi32>
    %eq3A_25 = arith.cmpi eq, %eq3A_24, %iota3A : vector<128x32xi32>
    %convert_element_type3A_26 = arith.extui %eq3A_25 : vector<128x32xi1> to vector<128x32xi32>
    %convert_element_type3A_27 = arith.sitofp %convert_element_type3A_26 : vector<128x32xi32> to vector<128x32xf32>
    %get3A_28 = arith.constant 0 : index
    %get3A_29 = arith.constant 0 : index
    %get3A_30 = vector.load %arg7[%get3A_28, %get3A_29] : memref<32x64xf32, #tpu.memory_space<vmem>>, vector<32x64xf32>
    %dot_general3A = arith.constant dense<0.000000e+00> : vector<128x64xf32>
    %dot_general3A_31 = tpu.matmul %convert_element_type3A_27, %get3A_30, %dot_general3A {dimension_numbers = #tpu.dot_dimension_numbers<[1], [0], [0], [1], [0, 0, 1, 1], [], []>, transpose_lhs_hint = false} : vector<128x32xf32>, vector<32x64xf32>, vector<128x64xf32> -> vector<128x64xf32>
    %slice3A = vector.extract_strided_slice %get3A_18 {offsets = [0, 0], sizes = [768, 1024], strides = [1, 1]} : vector<832x1024xf32> to vector<768x1024xf32>
    %dot_general3A_32 = arith.constant dense<0.000000e+00> : vector<128x1024xf32>
    %dot_general3A_33 = tpu.matmul %get3A_13, %slice3A, %dot_general3A_32 {dimension_numbers = #tpu.dot_dimension_numbers<[1], [0], [0], [1], [0, 0, 1, 1], [], []>, transpose_lhs_hint = false} : vector<128x768xf32>, vector<768x1024xf32>, vector<128x1024xf32> -> vector<128x1024xf32>
    %slice3A_34 = vector.extract_strided_slice %get3A_18 {offsets = [768, 0], sizes = [64, 1024], strides = [1, 1]} : vector<832x1024xf32> to vector<64x1024xf32>
    %dot_general3A_35 = arith.constant dense<0.000000e+00> : vector<128x1024xf32>
    %dot_general3A_36 = tpu.matmul %dot_general3A_31, %slice3A_34, %dot_general3A_35 {dimension_numbers = #tpu.dot_dimension_numbers<[1], [0], [0], [1], [0, 0, 1, 1], [], []>, transpose_lhs_hint = false} : vector<128x64xf32>, vector<64x1024xf32>, vector<128x1024xf32> -> vector<128x1024xf32>
    %add3A = arith.addf %dot_general3A_33, %dot_general3A_36 : vector<128x1024xf32>
    %max3A = arith.constant 0.000000e+00 : f32
    %max3A_37 = vector.broadcast %max3A : f32 to vector<128x1024xf32>
    %max3A_38 = arith.maximumf %add3A, %max3A_37 : vector<128x1024xf32>
    %get3A_39 = arith.index_cast %rem3A_1 : i32 to index
    %get3A_40 = arith.constant 0 : index
    %get3A_41 = arith.constant 0 : index
    %get3A_42 = vector.load %arg12[%get3A_39, %get3A_40, %get3A_41] : memref<2x1024x768xf32, #tpu.memory_space<vmem>>, vector<1x1024x768xf32>
    %get3A_43 = vector.shape_cast %get3A_42 : vector<1x1024x768xf32> to vector<1024x768xf32>
    %dot_general3A_44 = arith.constant dense<0.000000e+00> : vector<128x768xf32>
    %dot_general3A_45 = tpu.matmul %max3A_38, %get3A_43, %dot_general3A_44 {dimension_numbers = #tpu.dot_dimension_numbers<[1], [0], [0], [1], [0, 0, 1, 1], [], []>, transpose_lhs_hint = false} : vector<128x1024xf32>, vector<1024x768xf32>, vector<128x768xf32> -> vector<128x768xf32>
    %swap3A = arith.constant 0 : index
    %swap3A_46 = arith.constant 0 : index
    %swap3A_47 = vector.load %arg10[%swap3A, %swap3A_46] : memref<128x768xf32, #tpu.memory_space<vmem>>, vector<128x768xf32>
    tpu.vector_store %arg10[%swap3A, %swap3A_46], %dot_general3A_45 {strides = array<i32>} : memref<128x768xf32, #tpu.memory_space<vmem>>, vector<128x768xf32>,
    return
  }
  func.func @transform_0(%arg0: i32, %arg1: memref<24xi32, #tpu.memory_space<smem>>, %arg2: memref<24xi32, #tpu.memory_space<smem>>, %arg3: memref<8xi32, #tpu.memory_space<smem>>, %arg4: memref<1xi32, #tpu.memory_space<smem>>) -> (i32, i32) {
    %c0_i32 = arith.constant 0 : i32
    %c0_i32_0 = arith.constant 0 : i32
    return %arg0, %c0_i32 : i32, i32
  }
  func.func @transform_1(%arg0: i32, %arg1: memref<24xi32, #tpu.memory_space<smem>>, %arg2: memref<24xi32, #tpu.memory_space<smem>>, %arg3: memref<8xi32, #tpu.memory_space<smem>>, %arg4: memref<1xi32, #tpu.memory_space<smem>>) -> (i32, i32, i32) {
    %c0_i32 = arith.constant 0 : i32
    %c0_i32_0 = arith.constant 0 : i32
    %c0_i32_1 = arith.constant 0 : i32
    return %arg0, %c0_i32, %c0_i32_0 : i32, i32, i32
  }
  func.func @transform_2(%arg0: i32, %arg1: memref<24xi32, #tpu.memory_space<smem>>, %arg2: memref<24xi32, #tpu.memory_space<smem>>, %arg3: memref<8xi32, #tpu.memory_space<smem>>, %arg4: memref<1xi32, #tpu.memory_space<smem>>) -> (i32, i32) {
    %c0_i32 = arith.constant 0 : i32
    %c0_i32_0 = arith.constant 0 : i32
    %c0_i32_1 = arith.constant 0 : i32
    return %c0_i32, %c0_i32_0 : i32, i32
  }
  func.func @transform_5(%arg0: i32, %arg1: memref<24xi32, #tpu.memory_space<smem>>, %arg2: memref<24xi32, #tpu.memory_space<smem>>, %arg3: memref<8xi32, #tpu.memory_space<smem>>, %arg4: memref<1xi32, #tpu.memory_space<smem>>) -> (i32, i32) {
    %c0_i32 = arith.constant 0 : i32
    %c0_i32_0 = arith.constant 0 : i32
    return %arg0, %c0_i32 : i32, i32
  }
}

</mosaic_0001>

<sc_bundles>
// kernel: gather_offload_async_start
scs
__scs_entry_jumppad:
0x0: {  	(pc) =	sbr.rel $0x88, $3  }
0x1: {  	(tag) =	ssettag $0x0;
	lr =	simm.s32 $0x1  }
0x2: {  	[smem:$0x3F9B] =	sst lr;
	_ =	strace $0xD0000000  }
0x3: {  	_ = 	snop  }
0x4: {  	_ = 	snop  }
0x5: {  	_ = 	snop  }
0x6: {  	_ = 	snop  }
0x7: {  	_ = 	snop  }
__scs_overlays_trampoline_lowered:
0x8: {  	[smem:$0x3FAA] =	sst s0  }
0x9: {  	[smem:$0x3FAB] =	sst s1  }
0xa: {  	[smem:$0x3FAC] =	sst s2  }
0xb: {  	[smem:$0x3FAD] =	sst s3  }
0xc: {  	[smem:$0x3FAE] =	sst s4  }
0xd: {  	[smem:$0x3FAF] =	sst s5  }
0xe: {  	[smem:$0x3FB0] =	sst s6  }
0xf: {  	[smem:$0x3FB1] =	sst s7  }
0x10: {  	[smem:$0x3FB2] =	sst s8  }
0x11: {  	[smem:$0x3FB3] =	sst s9;
	s0 =	simm.s32 @!p0 $0x0  }
0x12: {  	s1 =	sld [smem:$0x3F99];
	s0 =	simm.s32 @p0 $0x1  }
0x13: {  	[smem:$0x3FB4] =	sst s0;
	s0 =	simm.s32 @!p1 $0x0  }
0x14: {  	s2 =	sld [smem:$0x3F98];
	s0 =	simm.s32 @p1 $0x1  }
0x15: {  	[smem:$0x3FB5] =	sst s0;
	s0 =	simm.s32 @!p2 $0x0  }
0x16: {  	s3 =	sld [smem:$0x3FDB];
	s0 =	simm.s32 @p2 $0x1  }
0x17: {  	s4 =	simm.s32 $0x1BF5;
	[smem:$0x3FB7] =	sst s0  }
0x18: {  	s0 =	sld [smem:$0x3F9A];
	_ =	swait.ge [sflag:s4], $0x0  }
0x19: {  	s7 =	sld [smem:$0x3F9B]  }
0x1a: {  	s8 =	sadd.s32 $0xFFFFE003, lr  }
0x1b: {  	s9 =	sadd.s32 $0xFFFFFEF7, lr;
	s5 =	simm.s32 $0xFFFFFFFF;
	p2 =	slt.u32 s8, $0xFFFFF086  }
0x1c: {  	p1 =	slt.u32 s9, $0xF7A;
	s5 =	simm.s32 @!p2 $0x0  }
0x1d: {  	s5 =	simm.s32 @p1 $0x1;
	p0 =	seq.s32 s7, s2  }
0x1e: {  	s7 =	smul.u32 @!p0 $0xF7A, s2;
	p2 =	seq.s32 @!p0 s5, $0x0  }
0x1f: {  	s9 =	smul.u32 $0xF7A, s1;
	s8 =	simm.s32 @!p0 $0x1BF5;
	p2 =	por !p2, p0  }
0x20: {  	[sflag:s8] =	ssyncset.s32 @!p0 $0xFFFFF086;
	s6 =	sadd.s32 @!p0 s3, s7;
	s7 =	simm.s32 @!p0 $0x108  }
0x21: {  	s3 =	sadd.s32 s3, s9;
	s6 =	sadd.s32 @!p0 $0x88, s6;
	s7 =	simm.s32 @p2 $0x1082  }
0x22: {  	[simem:s7], [sflag:s8] =	dma.local @!p0 [hbm:s6], $0xF7A  }
0x23: {  	s9 =	sor.u32 $0xD0000000, s2;
	s6 =	simm.s32 $0x108;
	_ =	swait.ge @!p0 [sflag:s8], $0x0  }
0x24: {  	s3 =	sadd.s32 $0x88, s3;
	s6 =	simm.s32 @!p1 $0x1082;
	[sflag:s4] =	ssyncset.s32 $0xFFFFF086  }
0x25: {  	[simem:s6], [sflag:s4] =	dma.local [hbm:s3], $0xF7A  }
0x26: {  	[smem:$0x3F9B] =	sst s1;
	(tag) =	ssettag s2;
	_ =	strace s9  }
0x27: {  	s1 =	sld [smem:$0x3FAB]  }
0x28: {  	s2 =	sld [smem:$0x3FAC]  }
0x29: {  	s4 =	sld [smem:$0x3FAE]  }
0x2a: {  	p0 =	seq.s32 s5, $0x0;
	s5 =	sld [smem:$0x3FAF]  }
0x2b: {  	s6 =	sld [smem:$0x3FB0]  }
0x2c: {  	s7 =	sld [smem:$0x3FB1]  }
0x2d: {  	s3 =	simm.s32 $0x108;
	s8 =	sld [smem:$0x3FB2]  }
0x2e: {  	s3 =	simm.s32 @!p0 $0x1082;
	s9 =	sld [smem:$0x3FB3]  }
0x2f: {  	lr =	sadd.s32 s0, s3;
	s0 =	sld [smem:$0x3FAA]  }
0x30: {  	s3 =	sld [smem:$0x3FAD]  }
0x31: {  	[smem:$0x3FB6] =	sst s10  }
0x32: {  	s10 =	sld [smem:$0x3FB4];
	_ =	sdelay $0x3  }
0x33: {  	p0 =	seq.s32 s10, $0x1;
	s10 =	sld [smem:$0x3FB6];
	_ =	sdelay $0x3  }
0x34: {  	[smem:$0x3FB6] =	sst s10  }
0x35: {  	s10 =	sld [smem:$0x3FB5];
	_ =	sdelay $0x3  }
0x36: {  	p1 =	seq.s32 s10, $0x1;
	s10 =	sld [smem:$0x3FB6];
	_ =	sdelay $0x3  }
0x37: {  	[smem:$0x3FB6] =	sst s10  }
0x38: {  	s10 =	sld [smem:$0x3FB7]  }
0x39: {  	_ = 	snop;
	(pc) =	sbr.ind lr, $3  }
0x3a: {  	_ = 	snop  }
0x3b: {  	_ = 	snop  }
0x3c: {  	p2 =	seq.s32 s10, $0x1;
	s10 =	sld [smem:$0x3FB6]  }
0x3d: {  	_ =	shalt  }
0x3e: {  	_ =	shalt  }
0x3f: {  	_ =	shalt  }
0x40: {  	_ =	shalt  }
0x41: {  	_ =	shalt  }
0x42: {  	_ =	shalt  }
0x43: {  	_ =	shalt  }
0x44: {  	_ =	shalt  }
0x45: {  	_ =	shalt  }
0x46: {  	_ =	shalt  }
0x47: {  	_ =	shalt  }
0x48: {  	_ =	shalt  }
0x49: {  	_ =	shalt  }
0x4a: {  	_ =	shalt  }
0x4b: {  	_ =	shalt  }
0x4c: {  	_ =	shalt  }
0x4d: {  	_ =	shalt  }
0x4e: {  	_ =	shalt  }
0x4f: {  	_ =	shalt  }
0x50: {  	_ =	shalt  }
0x51: {  	_ =	shalt  }
0x52: {  	_ =	shalt  }
0x53: {  	_ =	shalt  }
0x54: {  	_ =	shalt  }
0x55: {  	_ =	shalt  }
0x56: {  	_ =	shalt  }
0x57: {  	_ =	shalt  }
0x58: {  	_ =	shalt  }
0x59: {  	_ =	shalt  }
0x5a: {  	_ =	shalt  }
0x5b: {  	_ =	shalt  }
0x5c: {  	_ =	shalt  }
0x5d: {  	_ =	shalt  }
0x5e: {  	_ =	shalt  }
0x5f: {  	_ =	shalt  }
0x60: {  	_ =	shalt  }
0x61: {  	_ =	shalt  }
0x62: {  	_ =	shalt  }
0x63: {  	_ =	shalt  }
0x64: {  	_ =	shalt  }
0x65: {  	_ =	shalt  }
0x66: {  	_ =	shalt  }
0x67: {  	_ =	shalt  }
0x68: {  	_ =	shalt  }
0x69: {  	_ =	shalt  }
0x6a: {  	_ =	shalt  }
0x6b: {  	_ =	shalt  }
0x6c: {  	_ =	shalt  }
0x6d: {  	_ =	shalt  }
0x6e: {  	_ =	shalt  }
0x6f: {  	_ =	shalt  }
0x70: {  	_ =	shalt  }
0x71: {  	_ =	shalt  }
0x72: {  	_ =	shalt  }
0x73: {  	_ =	shalt  }
0x74: {  	_ =	shalt  }
0x75: {  	_ =	shalt  }
0x76: {  	_ =	shalt  }
0x77: {  	_ =	shalt  }
0x78: {  	_ =	shalt  }
0x79: {  	_ =	shalt  }
0x7a: {  	_ =	shalt  }
0x7b: {  	_ =	shalt  }
0x7c: {  	_ =	shalt  }
0x7d: {  	_ =	shalt  }
0x7e: {  	_ =	shalt  }
0x7f: {  	_ =	shalt  }
0x80: {  	_ =	shalt  }
0x81: {  	_ =	shalt  }
0x82: {  	_ =	shalt  }
0x83: {  	_ =	shalt  }
0x84: {  	_ =	shalt  }
0x85: {  	_ =	shalt  }
0x86: {  	_ =	shalt  }
0x87: {  	_ =	shalt  }
.Lfunc_end0:
.L_simem_size_0:
called_computation_lowered:
.L_overlay_start_0:
0x88: {  	s2 =	sld [smem:$0x3FD9]  }
0x89: {  	s3 =	sld [smem:$0x3FFE];
	_ =	sdelay $0x1  }
0x8a: {  	s1 =	srdreg.scid  }
0x8b: {  	s0 =	sand.u32 $0x1, s1  }
0x8c: {  	s17 =	sshll.u32 s0, $0xA;
	s2 =	sadd.s32 s3, s2  }
0x8d: {  	s2 =	sadd.s32 s2, s17  }
0x8e: {  	[smem:$0x3FC2] =	sst s2  }
0x8f: {  	_ = 	snop  }
0x90: {  	s2 =	sld [smem:$0x3FD0];
	(tm) =	ssettm $0x1  }
0x91: {  	s18 =	sld [smem:$0x3FFB];
	_ =	sdelay $0x3  }
0x92: {  	_ =	strace s18  }
0x93: {  	s3 =	sld [smem:$0x3FFC];
	_ =	sdelay $0x3  }
0x94: {  	_ =	strace s3  }
0x95: {  	s3 =	sld [smem:$0x3FFD];
	_ =	sdelay $0x3  }
0x96: {  	_ =	strace s3  }
0x97: {  	_ =	strace $0x8FFFFFFF  }
0x98: {  	s19 =	sld [smem:$0x3FDB];
	_ =	sdelay $0x1  }
0x99: {  	s4 =	simm.s32 $_scs_section_size  }
0x9a: {  	s5 =	simm.s32 $_size__tile_overlayer_lowered;
	s6 =	simm.s32 $_tile_overlayer_lowered  }
0x9b: {  	s22 =	simm.s32 $0x1BFF;
	s21 =	sshll.u32 s6, $0x1;
	s3 =	sadd.s32 s4, s19  }
0x9c: {  	s7 =	simm.s32 $0x0;
	s20 =	sshll.u32 s5, $0x1;
	s5 =	sadd.s32 s21, s3  }
0x9d: {  	[timem:s7], [sflag:s22] =	dma.local [hbm:s5], s20  }
0x9e: {  	_ =	swait.ge [sflag:s22], s20  }
0x9f: {  	s4 =	ssub.s32 $0x0, s20;
	[sflag:s22] =	ssyncset.done $0x0  }
0xa0: {  	[sflag:s22] =	ssyncadd.s32 s4;
	_ =	sdelay $0x1  }
0xa1: {  	s23 =	simm.s32 $0x1B8B  }
0xa2: {  	_ =	swait.ge [sflag:s23], $0x1  }
0xa3: {  	[sflag:s23] =	ssyncset.done $0x0  }
0xa4: {  	s25 =	simm.s32 $0x1B8E;
	s24 =	sld [smem:$0x3FFE];
	[sflag:s23] =	ssyncadd.s32 $0xFFFFFFFF  }
0xa5: {  	s26 =	simm.s32 $execute0_lowered;
	[smem:$0x3FD2] =	sst s25  }
0xa6: {  	s5 =	sshll.u32 s26, $0x1;
	_ =	strace $0x80000046;
	[dreg:$0x1] =	wrdreg $0xFFFFFFFF  }
0xa7: {  	s28 =	simm.s32 $_size_execute0_lowered;
	s3 =	sadd.s32 s3, s5;
	[dreg:$0x0] =	wrdreg $0x0  }
0xa8: {  	s5 =	sshll.u32 s28, $0x1;
	[dreg:$0x2] =	wrdreg s3  }
0xa9: {  	[dreg:$0x3] =	wrdreg s5  }
0xaa: {  	[dreg:$0x4] =	wrdreg $0xC0  }
0xab: {  	_ =	task [dreg:s7], $0x5FFFF  }
0xac: {  	[dreg:$0x1] =	wrdreg $0xFFFFFFFF  }
0xad: {  	[dreg:$0x0] =	wrdreg $0x60  }
0xae: {  	[dreg:$0x2] =	wrdreg s2  }
0xaf: {  	[dreg:$0x3] =	wrdreg s24  }
0xb0: {  	[dreg:$0x4] =	wrdreg $0x9  }
0xb1: {  	_ =	task.clear_ibuf [dreg:s7], $0x5FFFF;
	_ =	strace $0x90000046  }
0xb2: {  	s29 =	simm.s32 $0x9;
	_ =	strace $0x80000048  }
0xb3: {  	_ =	swait.ge [sflag:s29], $0x1  }
0xb4: {  	[sflag:s29] =	ssyncadd.s32 $0xFFFFFFFF  }
0xb5: {  	_ =	strace $0x90000048  }
0xb6: {  	_ =	sfence  }
0xb7: {  	s30 =	sld [smem:$0x0];
	_ =	sdelay $0x2  }
0xb8: {  	s31 =	sshll.u32 s1, $0xD;
	s1 =	sshrl.u32 s1, $0x2  }
0xb9: {  	s3 =	sand.u32 $0x4000, s31;
	s1 =	sadd.s32 s1, s30  }
0xba: {  	s0 =	sor.u32 s3, s0;
	s1 =	sshll.u32 s1, $0x11  }
0xbb: {  	s0 =	sor.u32 s1, s0  }
0xbc: {  	s0 =	sadd.s32 $0x8F2B, s0  }
0xbd: {  	[sflag:s0] =	ssyncadd.remote.s32 $0x1  }
0xbe: {  	_ =	sfence.sel $0xFFFF  }
0xbf: {  	[dreg:$0x0] =	wrdreg $0xFFFFFFFF;
	(pc) =	sbr.abs _section_cstart, $3  }
0xc0: {  	[dreg:$0x1] =	wrdreg $0xFFFFFFFF  }
0xc1: {  	_ =	task.clear_ibuf [dreg:s7], $0x2FFFF;
	_ =	strace $0x9FFFFFFF  }
0xc2: {  	(tm) =	ssettm $0x7FFFFFFF  }
0xc3: {  	_ =	shalt  }
tec
execute0_lowered:
.L_overlay_start_1:
0x0: {  	(tag) =	ssettag $0x1  }
0x1: {  	s1 =	srdreg.scid  }
0x2: {  	s0 =	stileid.u32;
	s2 =	rddreg [dreg:$0x0]  }
0x3: {  	s3 =	rddreg [dreg:$0x1];
	s5 =	simm.s32 $0x1;
	s1 =	sshll.u32 s1, $0x5  }
0x4: {  	s8 =	simm.s32 $0x1;
	s4 =	sshll.u32 s0, $0x6;
	s1 =	sand.u32 $0x20, s1  }
0x5: {  	s9 =	simm.s32 $0x3;
	s10 =	simm.s32 $0x0;
	s4 =	sor.u32 s4, s1  }
0x6: {  	s13 =	simm.s32 $0x0;
	s1 =	rddreg [dreg:$0x2];
	s7 =	ssub.s32 $0x800, s4  }
.Ltmp0:
0x7: {  	_ =	strace $0x80000047;
	s6 =	sand.u32 $0x3E0, s7;
	(pc) =	sbr.rel .LBB2_1-.Ltmp0, $4  }
0x8: {  	s12 =	simm.s32 $0x0;
	[sflag:s5] =	ssyncpa.u1 $0x0;
	p0 =	sne.s32 s6, $0x0  }
0x9: {  	s7 =	sshrl.u32 s7, $0xA;
	s6 =	simm.s32 $0x2;
	s8 =	simm.s32 @!p0 $0x0  }
0xa: {  	s11 =	smov.u32 s4;
	[sflag:s6] =	ssyncpa.u1 $0x0;
	s7 =	sadd.s32 s8, s7  }
0xb: {  	vm0 =	vmmov $0xffff;
	s8 =	sadd.s32 $0x200, s3;
	[sflag:s9] =	ssyncpa.u1 $0x0;
	s9 =	sadd.s32 $0x1, s7  }
.LBB2_5:
0xc: {  	s15 =	sadd.s32 $0x400, s11  }
0xd: {  	p1 =	sgt.s32 s15, $0x7FF  }
0xe: {  	s15 =	smov.u32 @p1 s4;
	p1 =	sne.s32 s12, s9  }
.Ltmp1:
0xf: {  	p0 =	slt.u32 s12, $0x2;
	(pc) =	sbr.rel @!p1 .LBB2_6-.Ltmp1, $4  }
0x10: {  	s14 =	simm.s32 @!p0 $0x3  }
0x11: {  	_ =	swait.ge @!p0 [sflag:s14], $0x20  }
0x12: {  	s16 =	sadd.s32 $0x1, s12;
	s13 =	smov.u32 s11;
	[sflag:s14] =	ssyncset.done @!p0 $0x0  }
0x13: {  	s12 =	smov.u32 s16;
	s11 =	smov.u32 s15;
	[sflag:s14] =	ssyncadd.s32 @!p0 $0xFFFFFFE0  }
.LBB2_1:
0x14: {  	p0 =	sge.u32 s12, s7  }
0x15: {  	s14 =	sxor.u32 @!p0 $0xFFFFFFFF, s12  }
0x16: {  	s31 =	sadd.s32 $0xFFFFFFFF, s12;
	s15 =	sshrl.u32 @!p0 s11, $0x3;
	s14 =	sshll.u32 @!p0 s14, $0x5  }
0x17: {  	s16 =	sand.u32 @!p0 $0x7, s11;
	s15 =	sadd.s32 @!p0 s3, s15;
	s14 =	sand.u32 @!p0 $0x20, s14  }
0x18: {  	[tilespmem:s14], [sflag:$0x2] =	stream.linear.gather @!p0 [hbm4b:s15+s16], $0x20, $0x38;
	[tilespmem:$0x80] =	vst v63  }
0x19: {  	p0 =	sge.u32 s31, s7  }
.Ltmp2:
0x1a: {  	_ = 	snop;
	(pc) =	sbr.rel @p0 .LBB2_5-.Ltmp2, $1  }
0x1b: {  	_ =	sdelay $0x3  }
0x1c: {  	_ =	swait.ge [sflag:s6], $0x20;
	s14 =	sshll.u32 s12, $0x5;
	s16 =	simm.s32 $0x0  }
0x1d: {  	p0 =	por $0x1, $0x1;
	[sflag:s6] =	ssyncset.done $0x0;
	s15 =	sand.u32 $0x20, s14  }
0x1e: {  	[sflag:s6] =	ssyncadd.s32 $0xFFFFFFE0;
	(ifvalue) =	ssetifvalue $0x7FFFFFFF;
	s14 =	sor.u32 $0x40, s15  }
.LBB2_3:
0x1f: {  	s17 =	sadd.s32 s16, s15  }
0x20: {  	v0 =	vld.msk [tilespmem:s17+$0x0 ss:$0x1], $0xffff;
	_ =	sdelay $0x4  }
0x21: {  	vm1 =	veq.s32 v0, $0x80000000;
	v1 =	vand.u32 $0x7FF, v0;
	v0 =	vshrl.u32 v0, $0xB  }
0x22: {  	v1 =	vsel vm1, $0xFFFFFFFF, v1;
	v0 =	vand.u32 $0x7, v0  }
0x23: {  	v0 =	vsel vm1, $0xFFFFFFFF, v0;
	v2 =	vshll.u32 v1, $0x3  }
0x24: {  	v3 =	vand.u32 $0xFFFFC000, v0;
	v2 =	vand.u32 $0xFFFFFC00, v2;
	v0 =	vshll.u32 v0, $0x7  }
0x25: {  	v2 =	vadd.s32 v2, v3;
	v0 =	vand.u32 $0x380, v0  }
0x26: {  	v1 =	vand.u32 $0x7F, v1;
	v0 =	vor.u32 v0, v2  }
0x27: {  	p1 =	por p0, p0;
	v0 =	vor.u32 v1, v0  }
.Ltmp3:
0x28: {  	_ = 	snop;
	(pc) =	sbr.rel @p1 .LBB2_3-.Ltmp3, $4  }
0x29: {  	_ = 	snop  }
0x2a: {  	s31 =	sadd.s32 s16, s14  }
0x2b: {  	s16 =	simm.s32 $0x10;
	p0 =	por $0x0, $0x0;
	(ifvalue) =	ssetifvalue $0x7FFFFFFF  }
0x2c: {  	[tilespmem:s31], [sflag:$0x1] =	stream.indirect_vreg.gather [hbm4b:s2+s10], $0x1, v0, vm0, $0x4038;
	[tilespmem:$0x80] =	vst v63  }
.Ltmp4:
0x2d: {  	(pc) =	sbr.rel .LBB2_5-.Ltmp4, $4  }
0x2e: {  	_ =	swait.ge [sflag:s5], $0x20  }
0x2f: {  	s15 =	sshrl.u32 s13, $0x3;
	[sflag:s5] =	ssyncset.done $0x0  }
0x30: {  	s31 =	sand.u32 $0x7, s13;
	s15 =	sadd.s32 s8, s15;
	[sflag:s5] =	ssyncadd.s32 $0xFFFFFFE0  }
0x31: {  	[hbm4b:s15+s31] =	stream.linear.scatter [tilespmem:s14], [sflag:$0x3], $0x20, $0x38;
	[tilespmem:$0x80] =	vst v63  }
.LBB2_6:
0x32: {  	_ =	sfence.sel $0x180000  }
0x33: {  	s2 =	simm.s32 $0x2;
	[bflag:$0x0] =	sbarrier.arrive $0xFFFF  }
0x34: {  	s30 =	simm.s32 $0x3;
	[sflag:s2] =	ssyncpa.u1 $0x1  }
0x35: {  	s31 =	simm.s32 $0x1;
	[sflag:s30] =	ssyncpa.u1 $0x1  }
0x36: {  	[sflag:s31] =	ssyncpa.u1 $0x1  }
0x37: {  	p0 =	sne.s32 s0, $0x0;
	_ =	strace $0x90000047  }
0x38: {  	s0 =	sadd.s32 @!p0 $0x100000, s1;
	[bflag:$0x2] =	sbarrier.arrive $0xFFFF  }
0x39: {  	[sflag:s0] =	ssyncadd.tile.s32 @!p0 $0x1;
	_ =	shalt  }
.Lfunc_end2:
_tile_overlayer_lowered:
.L_overlay_start_2:
0x3a: {  	(tag) =	ssettag $0x2  }
0x3b: {  	s0 =	rddreg [dreg:$0x0];
	s2 =	stileid.u32  }
0x3c: {  	s1 =	rddreg [dreg:$0x1];
	p0 =	sne.s32 s2, $0x0  }
0x3d: {  	s3 =	rddreg [dreg:$0x2];
	[bflag:$0x3] =	sbarrier.arrive $0xFFFF;
	s2 =	simm.s32 @!p0 $0x1C01  }
0x3e: {  	[timem:s3], [sflag:s2] =	dma.local @!p0 [hbm:s0], s1  }
0x3f: {  	s0 =	simm.s32 @!p0 $0x1  }
0x40: {  	_ =	swait.ge @!p0 [sflag:s0], s1  }
0x41: {  	s1 =	ssub.s32 @!p0 $0x0, s1;
	[sflag:s0] =	ssyncset.done @!p0 $0x0  }
0x42: {  	[sflag:s0] =	ssyncadd.s32 @!p0 s1  }
0x43: {  	[bflag:$0x3] =	sbarrier.arrive $0xFFFF  }
0x44: {  	_ =	shalt  }

// kernel: kernel.5.cloned.1.call-start
scs
__scs_entry_jumppad:
0x0: {  	(pc) =	sbr.rel $0x88, $3  }
0x1: {  	(tag) =	ssettag $0x0;
	lr =	simm.s32 $0x1  }
0x2: {  	[smem:$0x3F9B] =	sst lr;
	_ =	strace $0xD0000000  }
0x3: {  	_ = 	snop  }
0x4: {  	_ = 	snop  }
0x5: {  	_ = 	snop  }
0x6: {  	_ = 	snop  }
0x7: {  	_ = 	snop  }
__scs_overlays_trampoline_lowered:
0x8: {  	[smem:$0x3FAA] =	sst s0  }
0x9: {  	[smem:$0x3FAB] =	sst s1  }
0xa: {  	[smem:$0x3FAC] =	sst s2  }
0xb: {  	[smem:$0x3FAD] =	sst s3  }
0xc: {  	[smem:$0x3FAE] =	sst s4  }
0xd: {  	[smem:$0x3FAF] =	sst s5  }
0xe: {  	[smem:$0x3FB0] =	sst s6  }
0xf: {  	[smem:$0x3FB1] =	sst s7  }
0x10: {  	[smem:$0x3FB2] =	sst s8  }
0x11: {  	[smem:$0x3FB3] =	sst s9;
	s0 =	simm.s32 @!p0 $0x0  }
0x12: {  	s1 =	sld [smem:$0x3F99];
	s0 =	simm.s32 @p0 $0x1  }
0x13: {  	[smem:$0x3FB4] =	sst s0;
	s0 =	simm.s32 @!p1 $0x0  }
0x14: {  	s2 =	sld [smem:$0x3F98];
	s0 =	simm.s32 @p1 $0x1  }
0x15: {  	[smem:$0x3FB5] =	sst s0;
	s0 =	simm.s32 @!p2 $0x0  }
0x16: {  	s3 =	sld [smem:$0x3FDB];
	s0 =	simm.s32 @p2 $0x1  }
0x17: {  	s4 =	simm.s32 $0x1BF5;
	[smem:$0x3FB7] =	sst s0  }
0x18: {  	s0 =	sld [smem:$0x3F9A];
	_ =	swait.ge [sflag:s4], $0x0  }
0x19: {  	s7 =	sld [smem:$0x3F9B]  }
0x1a: {  	s8 =	sadd.s32 $0xFFFFE003, lr  }
0x1b: {  	s9 =	sadd.s32 $0xFFFFFEF7, lr;
	s5 =	simm.s32 $0xFFFFFFFF;
	p2 =	slt.u32 s8, $0xFFFFF086  }
0x1c: {  	p1 =	slt.u32 s9, $0xF7A;
	s5 =	simm.s32 @!p2 $0x0  }
0x1d: {  	s5 =	simm.s32 @p1 $0x1;
	p0 =	seq.s32 s7, s2  }
0x1e: {  	s7 =	smul.u32 @!p0 $0xF7A, s2;
	p2 =	seq.s32 @!p0 s5, $0x0  }
0x1f: {  	s9 =	smul.u32 $0xF7A, s1;
	s8 =	simm.s32 @!p0 $0x1BF5;
	p2 =	por !p2, p0  }
0x20: {  	[sflag:s8] =	ssyncset.s32 @!p0 $0xFFFFF086;
	s6 =	sadd.s32 @!p0 s3, s7;
	s7 =	simm.s32 @!p0 $0x108  }
0x21: {  	s3 =	sadd.s32 s3, s9;
	s6 =	sadd.s32 @!p0 $0x88, s6;
	s7 =	simm.s32 @p2 $0x1082  }
0x22: {  	[simem:s7], [sflag:s8] =	dma.local @!p0 [hbm:s6], $0xF7A  }
0x23: {  	s9 =	sor.u32 $0xD0000000, s2;
	s6 =	simm.s32 $0x108;
	_ =	swait.ge @!p0 [sflag:s8], $0x0  }
0x24: {  	s3 =	sadd.s32 $0x88, s3;
	s6 =	simm.s32 @!p1 $0x1082;
	[sflag:s4] =	ssyncset.s32 $0xFFFFF086  }
0x25: {  	[simem:s6], [sflag:s4] =	dma.local [hbm:s3], $0xF7A  }
0x26: {  	[smem:$0x3F9B] =	sst s1;
	(tag) =	ssettag s2;
	_ =	strace s9  }
0x27: {  	s1 =	sld [smem:$0x3FAB]  }
0x28: {  	s2 =	sld [smem:$0x3FAC]  }
0x29: {  	s4 =	sld [smem:$0x3FAE]  }
0x2a: {  	p0 =	seq.s32 s5, $0x0;
	s5 =	sld [smem:$0x3FAF]  }
0x2b: {  	s6 =	sld [smem:$0x3FB0]  }
0x2c: {  	s7 =	sld [smem:$0x3FB1]  }
0x2d: {  	s3 =	simm.s32 $0x108;
	s8 =	sld [smem:$0x3FB2]  }
0x2e: {  	s3 =	simm.s32 @!p0 $0x1082;
	s9 =	sld [smem:$0x3FB3]  }
0x2f: {  	lr =	sadd.s32 s0, s3;
	s0 =	sld [smem:$0x3FAA]  }
0x30: {  	s3 =	sld [smem:$0x3FAD]  }
0x31: {  	[smem:$0x3FB6] =	sst s10  }
0x32: {  	s10 =	sld [smem:$0x3FB4];
	_ =	sdelay $0x3  }
0x33: {  	p0 =	seq.s32 s10, $0x1;
	s10 =	sld [smem:$0x3FB6];
	_ =	sdelay $0x3  }
0x34: {  	[smem:$0x3FB6] =	sst s10  }
0x35: {  	s10 =	sld [smem:$0x3FB5];
	_ =	sdelay $0x3  }
0x36: {  	p1 =	seq.s32 s10, $0x1;
	s10 =	sld [smem:$0x3FB6];
	_ =	sdelay $0x3  }
0x37: {  	[smem:$0x3FB6] =	sst s10  }
0x38: {  	s10 =	sld [smem:$0x3FB7]  }
0x39: {  	_ = 	snop;
	(pc) =	sbr.ind lr, $3  }
0x3a: {  	_ = 	snop  }
0x3b: {  	_ = 	snop  }
0x3c: {  	p2 =	seq.s32 s10, $0x1;
	s10 =	sld [smem:$0x3FB6]  }
0x3d: {  	_ =	shalt  }
0x3e: {  	_ =	shalt  }
0x3f: {  	_ =	shalt  }
0x40: {  	_ =	shalt  }
0x41: {  	_ =	shalt  }
0x42: {  	_ =	shalt  }
0x43: {  	_ =	shalt  }
0x44: {  	_ =	shalt  }
0x45: {  	_ =	shalt  }
0x46: {  	_ =	shalt  }
0x47: {  	_ =	shalt  }
0x48: {  	_ =	shalt  }
0x49: {  	_ =	shalt  }
0x4a: {  	_ =	shalt  }
0x4b: {  	_ =	shalt  }
0x4c: {  	_ =	shalt  }
0x4d: {  	_ =	shalt  }
0x4e: {  	_ =	shalt  }
0x4f: {  	_ =	shalt  }
0x50: {  	_ =	shalt  }
0x51: {  	_ =	shalt  }
0x52: {  	_ =	shalt  }
0x53: {  	_ =	shalt  }
0x54: {  	_ =	shalt  }
0x55: {  	_ =	shalt  }
0x56: {  	_ =	shalt  }
0x57: {  	_ =	shalt  }
0x58: {  	_ =	shalt  }
0x59: {  	_ =	shalt  }
0x5a: {  	_ =	shalt  }
0x5b: {  	_ =	shalt  }
0x5c: {  	_ =	shalt  }
0x5d: {  	_ =	shalt  }
0x5e: {  	_ =	shalt  }
0x5f: {  	_ =	shalt  }
0x60: {  	_ =	shalt  }
0x61: {  	_ =	shalt  }
0x62: {  	_ =	shalt  }
0x63: {  	_ =	shalt  }
0x64: {  	_ =	shalt  }
0x65: {  	_ =	shalt  }
0x66: {  	_ =	shalt  }
0x67: {  	_ =	shalt  }
0x68: {  	_ =	shalt  }
0x69: {  	_ =	shalt  }
0x6a: {  	_ =	shalt  }
0x6b: {  	_ =	shalt  }
0x6c: {  	_ =	shalt  }
0x6d: {  	_ =	shalt  }
0x6e: {  	_ =	shalt  }
0x6f: {  	_ =	shalt  }
0x70: {  	_ =	shalt  }
0x71: {  	_ =	shalt  }
0x72: {  	_ =	shalt  }
0x73: {  	_ =	shalt  }
0x74: {  	_ =	shalt  }
0x75: {  	_ =	shalt  }
0x76: {  	_ =	shalt  }
0x77: {  	_ =	shalt  }
0x78: {  	_ =	shalt  }
0x79: {  	_ =	shalt  }
0x7a: {  	_ =	shalt  }
0x7b: {  	_ =	shalt  }
0x7c: {  	_ =	shalt  }
0x7d: {  	_ =	shalt  }
0x7e: {  	_ =	shalt  }
0x7f: {  	_ =	shalt  }
0x80: {  	_ =	shalt  }
0x81: {  	_ =	shalt  }
0x82: {  	_ =	shalt  }
0x83: {  	_ =	shalt  }
0x84: {  	_ =	shalt  }
0x85: {  	_ =	shalt  }
0x86: {  	_ =	shalt  }
0x87: {  	_ =	shalt  }
.Lfunc_end0:
.L_simem_size_0:
called_computation.1_lowered:
.L_overlay_start_0:
0x88: {  	s2 =	sld [smem:$0x3FD9]  }
0x89: {  	s3 =	sld [smem:$0x3FFE];
	_ =	sdelay $0x1  }
0x8a: {  	s1 =	srdreg.scid  }
0x8b: {  	s0 =	sand.u32 $0x1, s1  }
0x8c: {  	s17 =	sshll.u32 s0, $0xA;
	s2 =	sadd.s32 s3, s2  }
0x8d: {  	s2 =	sadd.s32 s2, s17  }
0x8e: {  	[smem:$0x3FC2] =	sst s2  }
0x8f: {  	_ = 	snop  }
0x90: {  	s2 =	sld [smem:$0x3FC9];
	(tm) =	ssettm $0x1  }
0x91: {  	s18 =	sld [smem:$0x3FFB];
	_ =	sdelay $0x3  }
0x92: {  	_ =	strace s18  }
0x93: {  	s3 =	sld [smem:$0x3FFC];
	_ =	sdelay $0x3  }
0x94: {  	_ =	strace s3  }
0x95: {  	s3 =	sld [smem:$0x3FFD];
	_ =	sdelay $0x3  }
0x96: {  	_ =	strace s3  }
0x97: {  	_ =	strace $0x8FFFFFFF  }
0x98: {  	s19 =	sld [smem:$0x3FDB];
	_ =	sdelay $0x1  }
0x99: {  	s4 =	simm.s32 $_scs_section_size  }
0x9a: {  	s5 =	simm.s32 $_size__tile_overlayer_lowered;
	s6 =	simm.s32 $_tile_overlayer_lowered  }
0x9b: {  	s22 =	simm.s32 $0x1BFF;
	s21 =	sshll.u32 s6, $0x1;
	s3 =	sadd.s32 s4, s19  }
0x9c: {  	s7 =	simm.s32 $0x0;
	s20 =	sshll.u32 s5, $0x1;
	s5 =	sadd.s32 s21, s3  }
0x9d: {  	[timem:s7], [sflag:s22] =	dma.local [hbm:s5], s20  }
0x9e: {  	_ =	swait.ge [sflag:s22], s20  }
0x9f: {  	s4 =	ssub.s32 $0x0, s20;
	[sflag:s22] =	ssyncset.done $0x0  }
0xa0: {  	[sflag:s22] =	ssyncadd.s32 s4;
	_ =	sdelay $0x1  }
0xa1: {  	s23 =	simm.s32 $0x1B8B  }
0xa2: {  	_ =	swait.ge [sflag:s23], $0x1  }
0xa3: {  	[sflag:s23] =	ssyncset.done $0x0  }
0xa4: {  	s25 =	simm.s32 $0x1B8E;
	s24 =	sld [smem:$0x3FFE];
	[sflag:s23] =	ssyncadd.s32 $0xFFFFFFFF  }
0xa5: {  	s26 =	simm.s32 $execute0_lowered;
	[smem:$0x3FD2] =	sst s25  }
0xa6: {  	s5 =	sshll.u32 s26, $0x1;
	_ =	strace $0x80000049;
	[dreg:$0x1] =	wrdreg $0xFFFFFFFF  }
0xa7: {  	s28 =	simm.s32 $_size_execute0_lowered;
	s3 =	sadd.s32 s3, s5;
	[dreg:$0x0] =	wrdreg $0x0  }
0xa8: {  	s5 =	sshll.u32 s28, $0x1;
	[dreg:$0x2] =	wrdreg s3  }
0xa9: {  	[dreg:$0x3] =	wrdreg s5  }
0xaa: {  	[dreg:$0x4] =	wrdreg $0xC0  }
0xab: {  	_ =	task [dreg:s7], $0x5FFFF  }
0xac: {  	[dreg:$0x1] =	wrdreg $0xFFFFFFFF  }
0xad: {  	[dreg:$0x0] =	wrdreg $0x60  }
0xae: {  	[dreg:$0x2] =	wrdreg s24  }
0xaf: {  	[dreg:$0x3] =	wrdreg s2  }
0xb0: {  	[dreg:$0x4] =	wrdreg $0x9  }
0xb1: {  	_ =	task.clear_ibuf [dreg:s7], $0x5FFFF;
	_ =	strace $0x90000049  }
0xb2: {  	s29 =	simm.s32 $0x9;
	_ =	strace $0x8000004B  }
0xb3: {  	_ =	swait.ge [sflag:s29], $0x1  }
0xb4: {  	[sflag:s29] =	ssyncadd.s32 $0xFFFFFFFF  }
0xb5: {  	_ =	strace $0x9000004B  }
0xb6: {  	_ =	sfence  }
0xb7: {  	s30 =	sld [smem:$0x0];
	_ =	sdelay $0x2  }
0xb8: {  	s31 =	sshll.u32 s1, $0xD;
	s1 =	sshrl.u32 s1, $0x2  }
0xb9: {  	s3 =	sand.u32 $0x4000, s31;
	s1 =	sadd.s32 s1, s30  }
0xba: {  	s0 =	sor.u32 s3, s0;
	s1 =	sshll.u32 s1, $0x11  }
0xbb: {  	s0 =	sor.u32 s1, s0  }
0xbc: {  	s0 =	sadd.s32 $0x8F2B, s0  }
0xbd: {  	[sflag:s0] =	ssyncadd.remote.s32 $0x1  }
0xbe: {  	_ =	sfence.sel $0xFFFF  }
0xbf: {  	[dreg:$0x0] =	wrdreg $0xFFFFFFFF;
	(pc) =	sbr.abs _section_cstart, $3  }
0xc0: {  	[dreg:$0x1] =	wrdreg $0xFFFFFFFF  }
0xc1: {  	_ =	task.clear_ibuf [dreg:s7], $0x2FFFF;
	_ =	strace $0x9FFFFFFF  }
0xc2: {  	(tm) =	ssettm $0x7FFFFFFF  }
0xc3: {  	_ =	shalt  }
tec
execute0_lowered:
.L_overlay_start_1:
0x0: {  	(tag) =	ssettag $0x1  }
0x1: {  	s1 =	srdreg.scid;
	s5 =	rddreg [dreg:$0x0]  }
0x2: {  	s0 =	stileid.u32;
	s3 =	rddreg [dreg:$0x1];
	s2 =	simm.s32 $0x0  }
0x3: {  	s8 =	simm.s32 $0x80;
	s26 =	simm.s32 $0x880;
	s9 =	simm.s32 $0x1080  }
0x4: {  	s10 =	simm.s32 $0x1880;
	s11 =	simm.s32 $0x2080;
	s12 =	simm.s32 $0x2880  }
0x5: {  	s13 =	simm.s32 $0x3080;
	s14 =	simm.s32 $0x3880;
	s15 =	simm.s32 $0x4080  }
0x6: {  	s16 =	simm.s32 $0x4880;
	s17 =	simm.s32 $0x5080;
	s18 =	simm.s32 $0x5880  }
0x7: {  	s19 =	simm.s32 $0x6080;
	s20 =	simm.s32 $0x6880;
	s21 =	simm.s32 $0x7080  }
0x8: {  	s22 =	simm.s32 $0x7880;
	s23 =	simm.s32 $0x8080;
	s24 =	simm.s32 $0x8880  }
0x9: {  	s28 =	simm.s32 $0xA080;
	s29 =	simm.s32 $0xA880;
	s30 =	simm.s32 $0xB080  }
0xa: {  	s31 =	simm.s32 $0xB880;
	s1 =	sand.u32 $0x1, s1;
	[smem:$0x7FF] =	sst s2  }
0xb: {  	s4 =	sshll.u32 s0, $0x4;
	s6 =	sshll.u32 s1, $0x3;
	_ =	strace $0x8000004A  }
0xc: {  	s1 =	ssub.s32 $0x2, s1;
	[dreg:$0x5] =	wrdreg s26;
	s4 =	sor.u32 s6, s4  }
0xd: {  	s26 =	simm.s32 $0x9880;
	s7 =	sshrl.u32 s1, $0x1;
	s6 =	smul.u32 $0x300, s4  }
0xe: {  	s4 =	sadd.s32 s5, s4;
	s1 =	ssub.s32 s1, s7;
	s7 =	simm.s32 $0x2  }
0xf: {  	v2 =	vlaneseq.u32;
	[dreg:$0x3] =	wrdreg s4;
	s4 =	sadd.s32 $0x300, s5;
	s25 =	sadd.s32 s3, s6  }
0x10: {  	vm0 =	vmmov $0xffff;
	v1 =	vshrl.u32 v2, $0x3;
	s3 =	sadd.s32 $0x200, s5;
	s5 =	sadd.s32 $0x400, s5;
	s6 =	smax.u32 s1, $0x1  }
0x11: {  	v0 =	vand.u32 $0x7, v2;
	v2 =	vor.u32 $0x8, v2;
	v1 =	vmul.u32 $0x8, v1;
	s1 =	simm.s32 $0x1;
	[dreg:$0x4] =	wrdreg s25;
	s25 =	simm.s32 $0x9080  }
.LBB2_1:
0x12: {  	s0 =	rddreg [dreg:$0x3]  }
0x13: {  	[tilespmem:s2], [sflag:$0x2] =	stream.linear.gather [hbm4b:s0+s2], $0x40, $0x38;
	[tilespmem:$0xC080] =	vst v63  }
0x14: {  	_ =	swait.ge [sflag:s7], $0x40  }
0x15: {  	[sflag:s7] =	ssyncset.done $0x0  }
0x16: {  	s0 =	rddreg [dreg:$0x4];
	[sflag:s7] =	ssyncadd.s32 $0xFFFFFFC0  }
0x17: {  	[tilespmem:s8], [sflag:$0x2] =	stream.linear.gather [hbm4b:s0+s2], $0xC000, $0x38;
	[tilespmem:$0xC080] =	vst v63  }
0x18: {  	_ =	swait.ge [sflag:s7], $0xC000  }
0x19: {  	[sflag:s7] =	ssyncset.done $0x0  }
0x1a: {  	[sflag:s7] =	ssyncadd.s32 $0xFFFF4000  }
0x1b: {  	v3 =	vld [tilespmem:$0x0];
	_ =	sdelay $0x4  }
0x1c: {  	v4 =	vshrl.u32 v3, $0x3  }
0x1d: {  	v4 =	vmul.u32 $0x30, v4  }
0x1e: {  	v3 =	vand.u32 $0x7, v3  }
0x1f: {  	v3 =	vor.u32 v3, v4  }
0x20: {  	v4 =	vperm.xlane v3, v0;
	_ =	sdelay $0x1  }
0x21: {  	v4 =	vadd.s32 v1, v4;
	_ =	sdelay $0x3  }
0x22: {  	v3 =	vperm.xlane v3, v2  }
0x23: {  	[hbm4b:s3+s2] =	stream.indirect_vreg.scatter [tilespmem:s8], [sflag:$0x1], $0x80, v4, vm0, $0xb8;
	[tilespmem:$0xC080] =	vst v63  }
0x24: {  	s0 =	rddreg [dreg:$0x5];
	v3 =	vadd.s32 v1, v3  }
0x25: {  	[hbm4b:s4+s2] =	stream.indirect_vreg.scatter [tilespmem:s0], [sflag:$0x1], $0x80, v4, vm0, $0xb8;
	[tilespmem:$0xC080] =	vst v63  }
0x26: {  	_ = 	snop  }
0x27: {  	[hbm4b:s5+s2] =	stream.indirect_vreg.scatter [tilespmem:s9], [sflag:$0x1], $0x80, v4, vm0, $0xb8;
	[tilespmem:$0xC080] =	vst v63  }
0x28: {  	_ = 	snop  }
0x29: {  	[hbm4b:s3+s2] =	stream.indirect_vreg.scatter [tilespmem:s10], [sflag:$0x1], $0x80, v3, vm0, $0xb8;
	[tilespmem:$0xC080] =	vst v63  }
0x2a: {  	_ = 	snop  }
0x2b: {  	[hbm4b:s4+s2] =	stream.indirect_vreg.scatter [tilespmem:s11], [sflag:$0x1], $0x80, v3, vm0, $0xb8;
	[tilespmem:$0xC080] =	vst v63  }
0x2c: {  	_ = 	snop  }
0x2d: {  	[hbm4b:s5+s2] =	stream.indirect_vreg.scatter [tilespmem:s12], [sflag:$0x1], $0x80, v3, vm0, $0xb8;
	[tilespmem:$0xC080] =	vst v63  }
0x2e: {  	v3 =	vld [tilespmem:$0x10];
	_ =	sdelay $0x4  }
0x2f: {  	v61 =	vshrl.u32 v3, $0x3  }
0x30: {  	v4 =	vmul.u32 $0x30, v61  }
0x31: {  	v3 =	vand.u32 $0x7, v3  }
0x32: {  	v3 =	vor.u32 v3, v4  }
0x33: {  	v4 =	vperm.xlane v3, v0;
	_ =	sdelay $0x1  }
0x34: {  	v4 =	vadd.s32 v1, v4;
	_ =	sdelay $0x3  }
0x35: {  	v3 =	vperm.xlane v3, v2  }
0x36: {  	[hbm4b:s3+s2] =	stream.indirect_vreg.scatter [tilespmem:s13], [sflag:$0x1], $0x80, v4, vm0, $0xb8;
	[tilespmem:$0xC080] =	vst v63  }
0x37: {  	v3 =	vadd.s32 v1, v3  }
0x38: {  	[hbm4b:s4+s2] =	stream.indirect_vreg.scatter [tilespmem:s14], [sflag:$0x1], $0x80, v4, vm0, $0xb8;
	[tilespmem:$0xC080] =	vst v63  }
0x39: {  	_ = 	snop  }
0x3a: {  	[hbm4b:s5+s2] =	stream.indirect_vreg.scatter [tilespmem:s15], [sflag:$0x1], $0x80, v4, vm0, $0xb8;
	[tilespmem:$0xC080] =	vst v63  }
0x3b: {  	_ = 	snop  }
0x3c: {  	[hbm4b:s3+s2] =	stream.indirect_vreg.scatter [tilespmem:s16], [sflag:$0x1], $0x80, v3, vm0, $0xb8;
	[tilespmem:$0xC080] =	vst v63  }
0x3d: {  	_ = 	snop  }
0x3e: {  	[hbm4b:s4+s2] =	stream.indirect_vreg.scatter [tilespmem:s17], [sflag:$0x1], $0x80, v3, vm0, $0xb8;
	[tilespmem:$0xC080] =	vst v63  }
0x3f: {  	_ = 	snop  }
0x40: {  	[hbm4b:s5+s2] =	stream.indirect_vreg.scatter [tilespmem:s18], [sflag:$0x1], $0x80, v3, vm0, $0xb8;
	[tilespmem:$0xC080] =	vst v63  }
0x41: {  	v3 =	vld [tilespmem:$0x20];
	_ =	sdelay $0x4  }
0x42: {  	v62 =	vshrl.u32 v3, $0x3  }
0x43: {  	v4 =	vmul.u32 $0x30, v62  }
0x44: {  	v3 =	vand.u32 $0x7, v3  }
0x45: {  	v3 =	vor.u32 v3, v4  }
0x46: {  	v4 =	vperm.xlane v3, v0;
	_ =	sdelay $0x1  }
0x47: {  	v4 =	vadd.s32 v1, v4;
	_ =	sdelay $0x3  }
0x48: {  	v3 =	vperm.xlane v3, v2  }
0x49: {  	[hbm4b:s3+s2] =	stream.indirect_vreg.scatter [tilespmem:s19], [sflag:$0x1], $0x80, v4, vm0, $0xb8;
	[tilespmem:$0xC080] =	vst v63  }
0x4a: {  	v3 =	vadd.s32 v1, v3  }
0x4b: {  	[hbm4b:s4+s2] =	stream.indirect_vreg.scatter [tilespmem:s20], [sflag:$0x1], $0x80, v4, vm0, $0xb8;
	[tilespmem:$0xC080] =	vst v63  }
0x4c: {  	_ = 	snop  }
0x4d: {  	[hbm4b:s5+s2] =	stream.indirect_vreg.scatter [tilespmem:s21], [sflag:$0x1], $0x80, v4, vm0, $0xb8;
	[tilespmem:$0xC080] =	vst v63  }
0x4e: {  	_ = 	snop  }
0x4f: {  	[hbm4b:s3+s2] =	stream.indirect_vreg.scatter [tilespmem:s22], [sflag:$0x1], $0x80, v3, vm0, $0xb8;
	[tilespmem:$0xC080] =	vst v63  }
0x50: {  	_ = 	snop  }
0x51: {  	[hbm4b:s4+s2] =	stream.indirect_vreg.scatter [tilespmem:s23], [sflag:$0x1], $0x80, v3, vm0, $0xb8;
	[tilespmem:$0xC080] =	vst v63  }
0x52: {  	_ = 	snop  }
0x53: {  	[hbm4b:s5+s2] =	stream.indirect_vreg.scatter [tilespmem:s24], [sflag:$0x1], $0x80, v3, vm0, $0xb8;
	[tilespmem:$0xC080] =	vst v63  }
0x54: {  	v3 =	vld [tilespmem:$0x30];
	_ =	sdelay $0x4  }
0x55: {  	v63 =	vshrl.u32 v3, $0x3  }
0x56: {  	v4 =	vmul.u32 $0x30, v63  }
0x57: {  	v3 =	vand.u32 $0x7, v3  }
0x58: {  	v3 =	vor.u32 v3, v4  }
0x59: {  	v4 =	vperm.xlane v3, v0;
	_ =	sdelay $0x1  }
0x5a: {  	v4 =	vadd.s32 v1, v4;
	_ =	sdelay $0x3  }
0x5b: {  	v3 =	vperm.xlane v3, v2  }
0x5c: {  	[hbm4b:s3+s2] =	stream.indirect_vreg.scatter [tilespmem:s25], [sflag:$0x1], $0x80, v4, vm0, $0xb8;
	[tilespmem:$0xC080] =	vst v63  }
0x5d: {  	v3 =	vadd.s32 v1, v3  }
0x5e: {  	[hbm4b:s4+s2] =	stream.indirect_vreg.scatter [tilespmem:s26], [sflag:$0x1], $0x80, v4, vm0, $0xb8;
	[tilespmem:$0xC080] =	vst v63  }
0x5f: {  	_ = 	snop  }
0x60: {  	[hbm4b:s5+s2] =	stream.indirect_vreg.scatter [tilespmem:s28], [sflag:$0x1], $0x80, v4, vm0, $0xb8;
	[tilespmem:$0xC080] =	vst v63  }
0x61: {  	_ = 	snop  }
0x62: {  	[hbm4b:s3+s2] =	stream.indirect_vreg.scatter [tilespmem:s29], [sflag:$0x1], $0x80, v3, vm0, $0xb8;
	[tilespmem:$0xC080] =	vst v63  }
0x63: {  	p0 =	sne.s32 s6, $0x1  }
0x64: {  	[hbm4b:s4+s2] =	stream.indirect_vreg.scatter [tilespmem:s30], [sflag:$0x1], $0x80, v3, vm0, $0xb8;
	[tilespmem:$0xC080] =	vst v63  }
.Ltmp0:
0x65: {  	_ = 	snop;
	(pc) =	sbr.rel @p0 .LBB2_1-.Ltmp0, $4  }
0x66: {  	[hbm4b:s5+s2] =	stream.indirect_vreg.scatter [tilespmem:s31], [sflag:$0x1], $0x80, v3, vm0, $0xb8;
	[tilespmem:$0xC080] =	vst v63  }
0x67: {  	_ =	swait.ge [sflag:s1], $0xC000  }
0x68: {  	[sflag:s1] =	ssyncset.done $0x0  }
0x69: {  	s6 =	sadd.s32 $0xFFFFFFFF, s6;
	[sflag:s1] =	ssyncadd.s32 $0xFFFF4000  }
0x6a: {  	_ =	sfence.sel $0x180000  }
0x6b: {  	[bflag:$0x0] =	sbarrier.arrive $0xFFFF  }
0x6c: {  	_ =	strace $0x9000004A  }
0x6d: {  	s0 =	stileid.u32;
	[bflag:$0x2] =	sbarrier.arrive $0xFFFF  }
0x6e: {  	p0 =	sne.s32 s0, $0x0;
	s0 =	rddreg [dreg:$0x2]  }
0x6f: {  	s0 =	sadd.s32 @!p0 $0x100000, s0  }
0x70: {  	[sflag:s0] =	ssyncadd.tile.s32 @!p0 $0x1;
	_ =	shalt  }
.Lfunc_end2:
_tile_overlayer_lowered:
.L_overlay_start_2:
0x71: {  	(tag) =	ssettag $0x2  }
0x72: {  	s0 =	rddreg [dreg:$0x0];
	s2 =	stileid.u32  }
0x73: {  	s1 =	rddreg [dreg:$0x1];
	p0 =	sne.s32 s2, $0x0  }
0x74: {  	s3 =	rddreg [dreg:$0x2];
	[bflag:$0x3] =	sbarrier.arrive $0xFFFF;
	s2 =	simm.s32 @!p0 $0x1C02  }
0x75: {  	[timem:s3], [sflag:s2] =	dma.local @!p0 [hbm:s0], s1  }
0x76: {  	s0 =	simm.s32 @!p0 $0x2  }
0x77: {  	_ =	swait.ge @!p0 [sflag:s0], s1  }
0x78: {  	s1 =	ssub.s32 @!p0 $0x0, s1;
	[sflag:s0] =	ssyncset.done @!p0 $0x0  }
0x79: {  	[sflag:s0] =	ssyncadd.s32 @!p0 s1  }
0x7a: {  	[bflag:$0x3] =	sbarrier.arrive $0xFFFF  }
0x7b: {  	_ =	shalt  }

// kernel: kernel.8.cloned.1.call-start
scs
__scs_entry_jumppad:
0x0: {  	(pc) =	sbr.rel $0x88, $3  }
0x1: {  	(tag) =	ssettag $0x0;
	lr =	simm.s32 $0x1  }
0x2: {  	[smem:$0x3F9B] =	sst lr;
	_ =	strace $0xD0000000  }
0x3: {  	_ = 	snop  }
0x4: {  	_ = 	snop  }
0x5: {  	_ = 	snop  }
0x6: {  	_ = 	snop  }
0x7: {  	_ = 	snop  }
__scs_overlays_trampoline_lowered:
0x8: {  	[smem:$0x3FAA] =	sst s0  }
0x9: {  	[smem:$0x3FAB] =	sst s1  }
0xa: {  	[smem:$0x3FAC] =	sst s2  }
0xb: {  	[smem:$0x3FAD] =	sst s3  }
0xc: {  	[smem:$0x3FAE] =	sst s4  }
0xd: {  	[smem:$0x3FAF] =	sst s5  }
0xe: {  	[smem:$0x3FB0] =	sst s6  }
0xf: {  	[smem:$0x3FB1] =	sst s7  }
0x10: {  	[smem:$0x3FB2] =	sst s8  }
0x11: {  	[smem:$0x3FB3] =	sst s9;
	s0 =	simm.s32 @!p0 $0x0  }
0x12: {  	s1 =	sld [smem:$0x3F99];
	s0 =	simm.s32 @p0 $0x1  }
0x13: {  	[smem:$0x3FB4] =	sst s0;
	s0 =	simm.s32 @!p1 $0x0  }
0x14: {  	s2 =	sld [smem:$0x3F98];
	s0 =	simm.s32 @p1 $0x1  }
0x15: {  	[smem:$0x3FB5] =	sst s0;
	s0 =	simm.s32 @!p2 $0x0  }
0x16: {  	s3 =	sld [smem:$0x3FDB];
	s0 =	simm.s32 @p2 $0x1  }
0x17: {  	s4 =	simm.s32 $0x1BF5;
	[smem:$0x3FB7] =	sst s0  }
0x18: {  	s0 =	sld [smem:$0x3F9A];
	_ =	swait.ge [sflag:s4], $0x0  }
0x19: {  	s7 =	sld [smem:$0x3F9B]  }
0x1a: {  	s8 =	sadd.s32 $0xFFFFE003, lr  }
0x1b: {  	s9 =	sadd.s32 $0xFFFFFEF7, lr;
	s5 =	simm.s32 $0xFFFFFFFF;
	p2 =	slt.u32 s8, $0xFFFFF086  }
0x1c: {  	p1 =	slt.u32 s9, $0xF7A;
	s5 =	simm.s32 @!p2 $0x0  }
0x1d: {  	s5 =	simm.s32 @p1 $0x1;
	p0 =	seq.s32 s7, s2  }
0x1e: {  	s7 =	smul.u32 @!p0 $0xF7A, s2;
	p2 =	seq.s32 @!p0 s5, $0x0  }
0x1f: {  	s9 =	smul.u32 $0xF7A, s1;
	s8 =	simm.s32 @!p0 $0x1BF5;
	p2 =	por !p2, p0  }
0x20: {  	[sflag:s8] =	ssyncset.s32 @!p0 $0xFFFFF086;
	s6 =	sadd.s32 @!p0 s3, s7;
	s7 =	simm.s32 @!p0 $0x108  }
0x21: {  	s3 =	sadd.s32 s3, s9;
	s6 =	sadd.s32 @!p0 $0x88, s6;
	s7 =	simm.s32 @p2 $0x1082  }
0x22: {  	[simem:s7], [sflag:s8] =	dma.local @!p0 [hbm:s6], $0xF7A  }
0x23: {  	s9 =	sor.u32 $0xD0000000, s2;
	s6 =	simm.s32 $0x108;
	_ =	swait.ge @!p0 [sflag:s8], $0x0  }
0x24: {  	s3 =	sadd.s32 $0x88, s3;
	s6 =	simm.s32 @!p1 $0x1082;
	[sflag:s4] =	ssyncset.s32 $0xFFFFF086  }
0x25: {  	[simem:s6], [sflag:s4] =	dma.local [hbm:s3], $0xF7A  }
0x26: {  	[smem:$0x3F9B] =	sst s1;
	(tag) =	ssettag s2;
	_ =	strace s9  }
0x27: {  	s1 =	sld [smem:$0x3FAB]  }
0x28: {  	s2 =	sld [smem:$0x3FAC]  }
0x29: {  	s4 =	sld [smem:$0x3FAE]  }
0x2a: {  	p0 =	seq.s32 s5, $0x0;
	s5 =	sld [smem:$0x3FAF]  }
0x2b: {  	s6 =	sld [smem:$0x3FB0]  }
0x2c: {  	s7 =	sld [smem:$0x3FB1]  }
0x2d: {  	s3 =	simm.s32 $0x108;
	s8 =	sld [smem:$0x3FB2]  }
0x2e: {  	s3 =	simm.s32 @!p0 $0x1082;
	s9 =	sld [smem:$0x3FB3]  }
0x2f: {  	lr =	sadd.s32 s0, s3;
	s0 =	sld [smem:$0x3FAA]  }
0x30: {  	s3 =	sld [smem:$0x3FAD]  }
0x31: {  	[smem:$0x3FB6] =	sst s10  }
0x32: {  	s10 =	sld [smem:$0x3FB4];
	_ =	sdelay $0x3  }
0x33: {  	p0 =	seq.s32 s10, $0x1;
	s10 =	sld [smem:$0x3FB6];
	_ =	sdelay $0x3  }
0x34: {  	[smem:$0x3FB6] =	sst s10  }
0x35: {  	s10 =	sld [smem:$0x3FB5];
	_ =	sdelay $0x3  }
0x36: {  	p1 =	seq.s32 s10, $0x1;
	s10 =	sld [smem:$0x3FB6];
	_ =	sdelay $0x3  }
0x37: {  	[smem:$0x3FB6] =	sst s10  }
0x38: {  	s10 =	sld [smem:$0x3FB7]  }
0x39: {  	_ = 	snop;
	(pc) =	sbr.ind lr, $3  }
0x3a: {  	_ = 	snop  }
0x3b: {  	_ = 	snop  }
0x3c: {  	p2 =	seq.s32 s10, $0x1;
	s10 =	sld [smem:$0x3FB6]  }
0x3d: {  	_ =	shalt  }
0x3e: {  	_ =	shalt  }
0x3f: {  	_ =	shalt  }
0x40: {  	_ =	shalt  }
0x41: {  	_ =	shalt  }
0x42: {  	_ =	shalt  }
0x43: {  	_ =	shalt  }
0x44: {  	_ =	shalt  }
0x45: {  	_ =	shalt  }
0x46: {  	_ =	shalt  }
0x47: {  	_ =	shalt  }
0x48: {  	_ =	shalt  }
0x49: {  	_ =	shalt  }
0x4a: {  	_ =	shalt  }
0x4b: {  	_ =	shalt  }
0x4c: {  	_ =	shalt  }
0x4d: {  	_ =	shalt  }
0x4e: {  	_ =	shalt  }
0x4f: {  	_ =	shalt  }
0x50: {  	_ =	shalt  }
0x51: {  	_ =	shalt  }
0x52: {  	_ =	shalt  }
0x53: {  	_ =	shalt  }
0x54: {  	_ =	shalt  }
0x55: {  	_ =	shalt  }
0x56: {  	_ =	shalt  }
0x57: {  	_ =	shalt  }
0x58: {  	_ =	shalt  }
0x59: {  	_ =	shalt  }
0x5a: {  	_ =	shalt  }
0x5b: {  	_ =	shalt  }
0x5c: {  	_ =	shalt  }
0x5d: {  	_ =	shalt  }
0x5e: {  	_ =	shalt  }
0x5f: {  	_ =	shalt  }
0x60: {  	_ =	shalt  }
0x61: {  	_ =	shalt  }
0x62: {  	_ =	shalt  }
0x63: {  	_ =	shalt  }
0x64: {  	_ =	shalt  }
0x65: {  	_ =	shalt  }
0x66: {  	_ =	shalt  }
0x67: {  	_ =	shalt  }
0x68: {  	_ =	shalt  }
0x69: {  	_ =	shalt  }
0x6a: {  	_ =	shalt  }
0x6b: {  	_ =	shalt  }
0x6c: {  	_ =	shalt  }
0x6d: {  	_ =	shalt  }
0x6e: {  	_ =	shalt  }
0x6f: {  	_ =	shalt  }
0x70: {  	_ =	shalt  }
0x71: {  	_ =	shalt  }
0x72: {  	_ =	shalt  }
0x73: {  	_ =	shalt  }
0x74: {  	_ =	shalt  }
0x75: {  	_ =	shalt  }
0x76: {  	_ =	shalt  }
0x77: {  	_ =	shalt  }
0x78: {  	_ =	shalt  }
0x79: {  	_ =	shalt  }
0x7a: {  	_ =	shalt  }
0x7b: {  	_ =	shalt  }
0x7c: {  	_ =	shalt  }
0x7d: {  	_ =	shalt  }
0x7e: {  	_ =	shalt  }
0x7f: {  	_ =	shalt  }
0x80: {  	_ =	shalt  }
0x81: {  	_ =	shalt  }
0x82: {  	_ =	shalt  }
0x83: {  	_ =	shalt  }
0x84: {  	_ =	shalt  }
0x85: {  	_ =	shalt  }
0x86: {  	_ =	shalt  }
0x87: {  	_ =	shalt  }
.Lfunc_end0:
.L_simem_size_0:
called_computation.2_lowered:
.L_overlay_start_0:
0x88: {  	s2 =	sld [smem:$0x3FD9]  }
0x89: {  	s3 =	sld [smem:$0x3FFE];
	_ =	sdelay $0x1  }
0x8a: {  	s1 =	srdreg.scid  }
0x8b: {  	s0 =	sand.u32 $0x1, s1  }
0x8c: {  	s17 =	sshll.u32 s0, $0xA;
	s2 =	sadd.s32 s3, s2  }
0x8d: {  	s2 =	sadd.s32 s2, s17  }
0x8e: {  	[smem:$0x3FC2] =	sst s2  }
0x8f: {  	_ = 	snop  }
0x90: {  	s2 =	sld [smem:$0x3FD0];
	(tm) =	ssettm $0x1  }
0x91: {  	s18 =	sld [smem:$0x3FFB];
	_ =	sdelay $0x3  }
0x92: {  	_ =	strace s18  }
0x93: {  	s3 =	sld [smem:$0x3FFC];
	_ =	sdelay $0x3  }
0x94: {  	_ =	strace s3  }
0x95: {  	s3 =	sld [smem:$0x3FFD];
	_ =	sdelay $0x3  }
0x96: {  	_ =	strace s3  }
0x97: {  	_ =	strace $0x8FFFFFFF  }
0x98: {  	s19 =	sld [smem:$0x3FDB];
	_ =	sdelay $0x1  }
0x99: {  	s4 =	simm.s32 $_scs_section_size  }
0x9a: {  	s5 =	simm.s32 $_size__tile_overlayer_lowered;
	s6 =	simm.s32 $_tile_overlayer_lowered  }
0x9b: {  	s22 =	simm.s32 $0x1BFF;
	s21 =	sshll.u32 s6, $0x1;
	s3 =	sadd.s32 s4, s19  }
0x9c: {  	s7 =	simm.s32 $0x0;
	s20 =	sshll.u32 s5, $0x1;
	s5 =	sadd.s32 s21, s3  }
0x9d: {  	[timem:s7], [sflag:s22] =	dma.local [hbm:s5], s20  }
0x9e: {  	_ =	swait.ge [sflag:s22], s20  }
0x9f: {  	s4 =	ssub.s32 $0x0, s20;
	[sflag:s22] =	ssyncset.done $0x0  }
0xa0: {  	[sflag:s22] =	ssyncadd.s32 s4;
	_ =	sdelay $0x1  }
0xa1: {  	s23 =	simm.s32 $0x1B8B  }
0xa2: {  	_ =	swait.ge [sflag:s23], $0x1  }
0xa3: {  	[sflag:s23] =	ssyncset.done $0x0  }
0xa4: {  	s25 =	simm.s32 $0x1B8E;
	s24 =	sld [smem:$0x3FFE];
	[sflag:s23] =	ssyncadd.s32 $0xFFFFFFFF  }
0xa5: {  	s26 =	simm.s32 $execute0_lowered;
	[smem:$0x3FD2] =	sst s25  }
0xa6: {  	s5 =	sshll.u32 s26, $0x1;
	_ =	strace $0x8000004C;
	[dreg:$0x1] =	wrdreg $0xFFFFFFFF  }
0xa7: {  	s28 =	simm.s32 $_size_execute0_lowered;
	s3 =	sadd.s32 s3, s5;
	[dreg:$0x0] =	wrdreg $0x0  }
0xa8: {  	s5 =	sshll.u32 s28, $0x1;
	[dreg:$0x2] =	wrdreg s3  }
0xa9: {  	[dreg:$0x3] =	wrdreg s5  }
0xaa: {  	[dreg:$0x4] =	wrdreg $0xC0  }
0xab: {  	_ =	task [dreg:s7], $0x5FFFF  }
0xac: {  	[dreg:$0x1] =	wrdreg $0xFFFFFFFF  }
0xad: {  	[dreg:$0x0] =	wrdreg $0x60  }
0xae: {  	[dreg:$0x2] =	wrdreg s24  }
0xaf: {  	[dreg:$0x3] =	wrdreg s2  }
0xb0: {  	[dreg:$0x4] =	wrdreg $0x9  }
0xb1: {  	_ =	task.clear_ibuf [dreg:s7], $0x5FFFF;
	_ =	strace $0x9000004C  }
0xb2: {  	s29 =	simm.s32 $0x9;
	_ =	strace $0x8000004E  }
0xb3: {  	_ =	swait.ge [sflag:s29], $0x1  }
0xb4: {  	[sflag:s29] =	ssyncadd.s32 $0xFFFFFFFF  }
0xb5: {  	_ =	strace $0x9000004E  }
0xb6: {  	_ =	sfence  }
0xb7: {  	s30 =	sld [smem:$0x0];
	_ =	sdelay $0x2  }
0xb8: {  	s31 =	sshll.u32 s1, $0xD;
	s1 =	sshrl.u32 s1, $0x2  }
0xb9: {  	s3 =	sand.u32 $0x4000, s31;
	s1 =	sadd.s32 s1, s30  }
0xba: {  	s0 =	sor.u32 s3, s0;
	s1 =	sshll.u32 s1, $0x11  }
0xbb: {  	s0 =	sor.u32 s1, s0  }
0xbc: {  	s0 =	sadd.s32 $0x8F2B, s0  }
0xbd: {  	[sflag:s0] =	ssyncadd.remote.s32 $0x1  }
0xbe: {  	_ =	sfence.sel $0xFFFF  }
0xbf: {  	[dreg:$0x0] =	wrdreg $0xFFFFFFFF;
	(pc) =	sbr.abs _section_cstart, $3  }
0xc0: {  	[dreg:$0x1] =	wrdreg $0xFFFFFFFF  }
0xc1: {  	_ =	task.clear_ibuf [dreg:s7], $0x2FFFF;
	_ =	strace $0x9FFFFFFF  }
0xc2: {  	(tm) =	ssettm $0x7FFFFFFF  }
0xc3: {  	_ =	shalt  }
tec
execute0_lowered:
.L_overlay_start_1:
0x0: {  	(tag) =	ssettag $0x1  }
0x1: {  	s0 =	rddreg [dreg:$0x0]  }
0x2: {  	s5 =	rddreg [dreg:$0x1]  }
0x3: {  	s2 =	srdreg.scid;
	s1 =	stileid.u32;
	s26 =	simm.s32 $0x880  }
0x4: {  	s9 =	simm.s32 $0x1080;
	s10 =	simm.s32 $0x1880;
	s11 =	simm.s32 $0x2080  }
0x5: {  	s12 =	simm.s32 $0x2880;
	s13 =	simm.s32 $0x3080;
	s14 =	simm.s32 $0x3880  }
0x6: {  	s15 =	simm.s32 $0x4080;
	s16 =	simm.s32 $0x4880;
	s17 =	simm.s32 $0x5080  }
0x7: {  	s18 =	simm.s32 $0x5880;
	s19 =	simm.s32 $0x6080;
	s20 =	simm.s32 $0x6880  }
0x8: {  	s21 =	simm.s32 $0x7080;
	s22 =	simm.s32 $0x7880;
	s23 =	simm.s32 $0x8080  }
0x9: {  	s28 =	simm.s32 $0xA080;
	s29 =	simm.s32 $0xA880;
	s30 =	simm.s32 $0xB080  }
0xa: {  	s31 =	simm.s32 $0xB880;
	s3 =	sand.u32 $0x1, s2;
	s2 =	simm.s32 $0x0  }
0xb: {  	s4 =	sshll.u32 s1, $0x4;
	s6 =	sshll.u32 s3, $0x3;
	[smem:$0x7FF] =	sst s2  }
0xc: {  	s7 =	ssub.s32 $0x2, s3;
	s3 =	sadd.s32 $0x200, s0;
	s4 =	sor.u32 s6, s4  }
0xd: {  	_ =	strace $0x8000004D;
	s24 =	sshrl.u32 s7, $0x1;
	[dreg:$0x5] =	wrdreg s26  }
0xe: {  	s26 =	simm.s32 $0x9880;
	s8 =	smul.u32 $0x300, s4;
	s6 =	ssub.s32 s7, s24  }
0xf: {  	s4 =	sadd.s32 s0, s4;
	s7 =	simm.s32 $0x2;
	s24 =	simm.s32 $0x8880  }
0x10: {  	v2 =	vlaneseq.u32;
	[dreg:$0x3] =	wrdreg s4;
	s4 =	sadd.s32 $0x300, s0;
	s6 =	smax.u32 s6, $0x1  }
0x11: {  	vm0 =	vmmov $0xffff;
	v1 =	vshrl.u32 v2, $0x3;
	s25 =	sadd.s32 s5, s8;
	s5 =	sadd.s32 $0x400, s0;
	s8 =	simm.s32 $0x80  }
0x12: {  	v0 =	vand.u32 $0x7, v2;
	v2 =	vor.u32 $0x8, v2;
	v1 =	vmul.u32 $0x8, v1;
	s0 =	simm.s32 $0x1;
	[dreg:$0x4] =	wrdreg s25;
	s25 =	simm.s32 $0x9080  }
.LBB2_1:
0x13: {  	s1 =	rddreg [dreg:$0x3]  }
0x14: {  	[tilespmem:s2], [sflag:$0x2] =	stream.linear.gather [hbm4b:s1+s2], $0x40, $0x38;
	[tilespmem:$0xC080] =	vst v63  }
0x15: {  	_ =	swait.ge [sflag:s7], $0x40  }
0x16: {  	[sflag:s7] =	ssyncset.done $0x0  }
0x17: {  	[sflag:s7] =	ssyncadd.s32 $0xFFFFFFC0  }
0x18: {  	v3 =	vld [tilespmem:$0x0];
	_ =	sdelay $0x4  }
0x19: {  	v4 =	vshrl.u32 v3, $0x3  }
0x1a: {  	v4 =	vmul.u32 $0x30, v4  }
0x1b: {  	v3 =	vand.u32 $0x7, v3  }
0x1c: {  	v3 =	vor.u32 v3, v4  }
0x1d: {  	v4 =	vperm.xlane v3, v0;
	_ =	sdelay $0x1  }
0x1e: {  	v4 =	vadd.s32 v1, v4;
	_ =	sdelay $0x3  }
0x1f: {  	v3 =	vperm.xlane v3, v2  }
0x20: {  	[tilespmem:s8], [sflag:$0x1] =	stream.indirect_vreg.gather [hbm4b:s3+s2], $0x80, v4, vm0, $0xb8;
	[tilespmem:$0xC080] =	vst v63  }
0x21: {  	s1 =	rddreg [dreg:$0x5];
	v3 =	vadd.s32 v1, v3  }
0x22: {  	[tilespmem:s1], [sflag:$0x1] =	stream.indirect_vreg.gather [hbm4b:s4+s2], $0x80, v4, vm0, $0xb8;
	[tilespmem:$0xC080] =	vst v63  }
0x23: {  	_ = 	snop  }
0x24: {  	[tilespmem:s9], [sflag:$0x1] =	stream.indirect_vreg.gather [hbm4b:s5+s2], $0x80, v4, vm0, $0xb8;
	[tilespmem:$0xC080] =	vst v63  }
0x25: {  	_ = 	snop  }
0x26: {  	[tilespmem:s10], [sflag:$0x1] =	stream.indirect_vreg.gather [hbm4b:s3+s2], $0x80, v3, vm0, $0xb8;
	[tilespmem:$0xC080] =	vst v63  }
0x27: {  	_ = 	snop  }
0x28: {  	[tilespmem:s11], [sflag:$0x1] =	stream.indirect_vreg.gather [hbm4b:s4+s2], $0x80, v3, vm0, $0xb8;
	[tilespmem:$0xC080] =	vst v63  }
0x29: {  	_ = 	snop  }
0x2a: {  	[tilespmem:s12], [sflag:$0x1] =	stream.indirect_vreg.gather [hbm4b:s5+s2], $0x80, v3, vm0, $0xb8;
	[tilespmem:$0xC080] =	vst v63  }
0x2b: {  	v3 =	vld [tilespmem:$0x10];
	_ =	sdelay $0x4  }
0x2c: {  	v61 =	vshrl.u32 v3, $0x3  }
0x2d: {  	v4 =	vmul.u32 $0x30, v61  }
0x2e: {  	v3 =	vand.u32 $0x7, v3  }
0x2f: {  	v3 =	vor.u32 v3, v4  }
0x30: {  	v4 =	vperm.xlane v3, v0;
	_ =	sdelay $0x1  }
0x31: {  	v4 =	vadd.s32 v1, v4;
	_ =	sdelay $0x3  }
0x32: {  	v3 =	vperm.xlane v3, v2  }
0x33: {  	[tilespmem:s13], [sflag:$0x1] =	stream.indirect_vreg.gather [hbm4b:s3+s2], $0x80, v4, vm0, $0xb8;
	[tilespmem:$0xC080] =	vst v63  }
0x34: {  	v3 =	vadd.s32 v1, v3  }
0x35: {  	[tilespmem:s14], [sflag:$0x1] =	stream.indirect_vreg.gather [hbm4b:s4+s2], $0x80, v4, vm0, $0xb8;
	[tilespmem:$0xC080] =	vst v63  }
0x36: {  	_ = 	snop  }
0x37: {  	[tilespmem:s15], [sflag:$0x1] =	stream.indirect_vreg.gather [hbm4b:s5+s2], $0x80, v4, vm0, $0xb8;
	[tilespmem:$0xC080] =	vst v63  }
0x38: {  	_ = 	snop  }
0x39: {  	[tilespmem:s16], [sflag:$0x1] =	stream.indirect_vreg.gather [hbm4b:s3+s2], $0x80, v3, vm0, $0xb8;
	[tilespmem:$0xC080] =	vst v63  }
0x3a: {  	_ = 	snop  }
0x3b: {  	[tilespmem:s17], [sflag:$0x1] =	stream.indirect_vreg.gather [hbm4b:s4+s2], $0x80, v3, vm0, $0xb8;
	[tilespmem:$0xC080] =	vst v63  }
0x3c: {  	_ = 	snop  }
0x3d: {  	[tilespmem:s18], [sflag:$0x1] =	stream.indirect_vreg.gather [hbm4b:s5+s2], $0x80, v3, vm0, $0xb8;
	[tilespmem:$0xC080] =	vst v63  }
0x3e: {  	v3 =	vld [tilespmem:$0x20];
	_ =	sdelay $0x4  }
0x3f: {  	v62 =	vshrl.u32 v3, $0x3  }
0x40: {  	v4 =	vmul.u32 $0x30, v62  }
0x41: {  	v3 =	vand.u32 $0x7, v3  }
0x42: {  	v3 =	vor.u32 v3, v4  }
0x43: {  	v4 =	vperm.xlane v3, v0;
	_ =	sdelay $0x1  }
0x44: {  	v4 =	vadd.s32 v1, v4;
	_ =	sdelay $0x3  }
0x45: {  	v3 =	vperm.xlane v3, v2  }
0x46: {  	[tilespmem:s19], [sflag:$0x1] =	stream.indirect_vreg.gather [hbm4b:s3+s2], $0x80, v4, vm0, $0xb8;
	[tilespmem:$0xC080] =	vst v63  }
0x47: {  	v3 =	vadd.s32 v1, v3  }
0x48: {  	[tilespmem:s20], [sflag:$0x1] =	stream.indirect_vreg.gather [hbm4b:s4+s2], $0x80, v4, vm0, $0xb8;
	[tilespmem:$0xC080] =	vst v63  }
0x49: {  	_ = 	snop  }
0x4a: {  	[tilespmem:s21], [sflag:$0x1] =	stream.indirect_vreg.gather [hbm4b:s5+s2], $0x80, v4, vm0, $0xb8;
	[tilespmem:$0xC080] =	vst v63  }
0x4b: {  	_ = 	snop  }
0x4c: {  	[tilespmem:s22], [sflag:$0x1] =	stream.indirect_vreg.gather [hbm4b:s3+s2], $0x80, v3, vm0, $0xb8;
	[tilespmem:$0xC080] =	vst v63  }
0x4d: {  	_ = 	snop  }
0x4e: {  	[tilespmem:s23], [sflag:$0x1] =	stream.indirect_vreg.gather [hbm4b:s4+s2], $0x80, v3, vm0, $0xb8;
	[tilespmem:$0xC080] =	vst v63  }
0x4f: {  	_ = 	snop  }
0x50: {  	[tilespmem:s24], [sflag:$0x1] =	stream.indirect_vreg.gather [hbm4b:s5+s2], $0x80, v3, vm0, $0xb8;
	[tilespmem:$0xC080] =	vst v63  }
0x51: {  	v3 =	vld [tilespmem:$0x30];
	_ =	sdelay $0x4  }
0x52: {  	v63 =	vshrl.u32 v3, $0x3  }
0x53: {  	v4 =	vmul.u32 $0x30, v63  }
0x54: {  	v3 =	vand.u32 $0x7, v3  }
0x55: {  	v3 =	vor.u32 v3, v4  }
0x56: {  	v4 =	vperm.xlane v3, v0;
	_ =	sdelay $0x1  }
0x57: {  	v4 =	vadd.s32 v1, v4;
	_ =	sdelay $0x3  }
0x58: {  	v3 =	vperm.xlane v3, v2  }
0x59: {  	[tilespmem:s25], [sflag:$0x1] =	stream.indirect_vreg.gather [hbm4b:s3+s2], $0x80, v4, vm0, $0xb8;
	[tilespmem:$0xC080] =	vst v63  }
0x5a: {  	v3 =	vadd.s32 v1, v3  }
0x5b: {  	[tilespmem:s26], [sflag:$0x1] =	stream.indirect_vreg.gather [hbm4b:s4+s2], $0x80, v4, vm0, $0xb8;
	[tilespmem:$0xC080] =	vst v63  }
0x5c: {  	_ = 	snop  }
0x5d: {  	[tilespmem:s28], [sflag:$0x1] =	stream.indirect_vreg.gather [hbm4b:s5+s2], $0x80, v4, vm0, $0xb8;
	[tilespmem:$0xC080] =	vst v63  }
0x5e: {  	_ = 	snop  }
0x5f: {  	[tilespmem:s29], [sflag:$0x1] =	stream.indirect_vreg.gather [hbm4b:s3+s2], $0x80, v3, vm0, $0xb8;
	[tilespmem:$0xC080] =	vst v63  }
0x60: {  	_ = 	snop  }
0x61: {  	[tilespmem:s30], [sflag:$0x1] =	stream.indirect_vreg.gather [hbm4b:s4+s2], $0x80, v3, vm0, $0xb8;
	[tilespmem:$0xC080] =	vst v63  }
0x62: {  	_ = 	snop  }
0x63: {  	[tilespmem:s31], [sflag:$0x1] =	stream.indirect_vreg.gather [hbm4b:s5+s2], $0x80, v3, vm0, $0xb8;
	[tilespmem:$0xC080] =	vst v63  }
0x64: {  	_ =	swait.ge [sflag:s0], $0xC000  }
0x65: {  	p0 =	sne.s32 s6, $0x1;
	[sflag:s0] =	ssyncset.done $0x0  }
.Ltmp0:
0x66: {  	s1 =	rddreg [dreg:$0x4];
	[sflag:s0] =	ssyncadd.s32 $0xFFFF4000;
	(pc) =	sbr.rel @p0 .LBB2_1-.Ltmp0, $4  }
0x67: {  	[hbm4b:s1+s2] =	stream.linear.scatter [tilespmem:s8], [sflag:$0x2], $0xC000, $0x38;
	[tilespmem:$0xC080] =	vst v63  }
0x68: {  	_ =	swait.ge [sflag:s7], $0xC000  }
0x69: {  	[sflag:s7] =	ssyncset.done $0x0  }
0x6a: {  	s6 =	sadd.s32 $0xFFFFFFFF, s6;
	[sflag:s7] =	ssyncadd.s32 $0xFFFF4000  }
0x6b: {  	_ =	sfence.sel $0x180000  }
0x6c: {  	[bflag:$0x0] =	sbarrier.arrive $0xFFFF  }
0x6d: {  	_ =	strace $0x9000004D  }
0x6e: {  	s0 =	stileid.u32;
	[bflag:$0x2] =	sbarrier.arrive $0xFFFF  }
0x6f: {  	p0 =	sne.s32 s0, $0x0;
	s0 =	rddreg [dreg:$0x2]  }
0x70: {  	s0 =	sadd.s32 @!p0 $0x100000, s0  }
0x71: {  	[sflag:s0] =	ssyncadd.tile.s32 @!p0 $0x1;
	_ =	shalt  }
.Lfunc_end2:
_tile_overlayer_lowered:
.L_overlay_start_2:
0x72: {  	(tag) =	ssettag $0x2  }
0x73: {  	s0 =	rddreg [dreg:$0x0];
	s2 =	stileid.u32  }
0x74: {  	s1 =	rddreg [dreg:$0x1];
	p0 =	sne.s32 s2, $0x0  }
0x75: {  	s3 =	rddreg [dreg:$0x2];
	[bflag:$0x3] =	sbarrier.arrive $0xFFFF;
	s2 =	simm.s32 @!p0 $0x1C02  }
0x76: {  	[timem:s3], [sflag:s2] =	dma.local @!p0 [hbm:s0], s1  }
0x77: {  	s0 =	simm.s32 @!p0 $0x2  }
0x78: {  	_ =	swait.ge @!p0 [sflag:s0], s1  }
0x79: {  	s1 =	ssub.s32 @!p0 $0x0, s1;
	[sflag:s0] =	ssyncset.done @!p0 $0x0  }
0x7a: {  	[sflag:s0] =	ssyncadd.s32 @!p0 s1  }
0x7b: {  	[bflag:$0x3] =	sbarrier.arrive $0xFFFF  }
0x7c: {  	_ =	shalt  }

</sc_bundles>
